<compile_context>
chip_gen: v7x
topology: tpu7x:2x2x1
jax: 0.10.2.dev20260603
libtpu: 0.0.44.dev20260713+nightly
codegen_flags: <defaults>
</compile_context>

<pallas_src>
import functools

import numpy as np
import jax
import jax.numpy as jnp
from jax import lax
from jax.experimental import pallas as pl
from jax.experimental.pallas import tpu as pltpu
from jax.experimental.pallas import tpu_sc as plsc

D_MODEL = 128
MEMORY_LEN = 200
BATCH = 4096
NUM_COMBO = 25
SCALE = float(np.sqrt(D_MODEL))
EPS = 1e-5
ROWS = MEMORY_LEN * BATCH
WINDOW = 128
GRID = ROWS // WINDOW


def _prep_body(pos_ref, pt_ref, lt_ref, g_ref, b_ref, xp_ref, xl_ref,
               t_ref, combo_ref):
    gamma = g_ref[...]
    beta = b_ref[...]
    pos2 = 2.0 * pos_ref[...]
    for c in range(NUM_COMBO):
        p, lab = c // 5, c % 5
        row = SCALE * (pt_ref[p:p + 1, :] + lt_ref[lab:lab + 1, :])
        x = pos2 + row
        mean = jnp.mean(x, axis=-1, keepdims=True)
        var = jnp.mean((x - mean) ** 2, axis=-1, keepdims=True)
        t_ref[c] = (x - mean) * lax.rsqrt(var + EPS) * gamma + beta
    iota_l = lax.broadcasted_iota(jnp.int32, (MEMORY_LEN, BATCH), 0)
    combo_ref[...] = (5 * xp_ref[...] + xl_ref[...]) * MEMORY_LEN + iota_l


def _prep(pos_table, pitch_table, label_table, ln_gamma, ln_beta, xp_t, xl_t):
    return pl.pallas_call(
        _prep_body,
        out_shape=[
            jax.ShapeDtypeStruct((NUM_COMBO, MEMORY_LEN, D_MODEL), jnp.float32),
            jax.ShapeDtypeStruct((MEMORY_LEN, BATCH), jnp.int32),
        ],
    )(pos_table, pitch_table, label_table, ln_gamma, ln_beta, xp_t, xl_t)


def _gather(table, idx):
    mesh = plsc.VectorSubcoreMesh(core_axis_name="core",
                                  subcore_axis_name="subcore")

    @functools.partial(
        pl.kernel,
        out_type=jax.ShapeDtypeStruct((ROWS, D_MODEL), jnp.float32),
        mesh=mesh,
        scratch_types=[
            pltpu.VMEM_SHARED((NUM_COMBO * MEMORY_LEN, D_MODEL), jnp.float32),
            pltpu.SemaphoreType.DMA,
            pltpu.SemaphoreType.DMA,
        ],
    )
    def k(t_hbm, i_hbm, o_hbm, t_spmem, sem_a, sem_b):
        sid = lax.axis_index("subcore")

        @pl.when(sid < 15)
        def _():
            pltpu.sync_copy(t_hbm.at[pl.ds(sid * 312, 312)],
                            t_spmem.at[pl.ds(sid * 312, 312)])

        @pl.when(sid == 15)
        def _():
            pltpu.sync_copy(t_hbm.at[pl.ds(4680, 320)],
                            t_spmem.at[pl.ds(4680, 320)])

        plsc.subcore_barrier()

        def body(i_vmem, o_vmem):
            cp_a = pltpu.async_copy(t_spmem.at[i_vmem.at[0]],
                                    o_vmem.at[pl.ds(0, WINDOW)], sem_a)
            cp_b = pltpu.async_copy(t_spmem.at[i_vmem.at[1]],
                                    o_vmem.at[pl.ds(WINDOW, WINDOW)], sem_b)
            cp_a.wait()
            cp_b.wait()

        pltpu.emit_pipeline(
            body,
            grid=(GRID // 2,),
            in_specs=[pl.BlockSpec((2, WINDOW), index_map=lambda i: (i, 0))],
            out_specs=[pl.BlockSpec((2 * WINDOW, D_MODEL),
                                    index_map=lambda i: (i, 0))],
            core_axis_name=("core", "subcore"),
            dimension_semantics=(pltpu.PARALLEL,),
        )(i_hbm, o_hbm)

    return k(table, idx)


def kernel(x_pitch, x_label, pos_table, pitch_table, label_table,
           ln_gamma, ln_beta):
    xp_t = x_pitch.T
    xl_t = x_label.T
    t, combo = _prep(pos_table, pitch_table, label_table,
                     ln_gamma.reshape(1, D_MODEL), ln_beta.reshape(1, D_MODEL),
                     xp_t, xl_t)
    out_flat = _gather(t.reshape(NUM_COMBO * MEMORY_LEN, D_MODEL),
                       combo.reshape(GRID, WINDOW))
    return out_flat.reshape(MEMORY_LEN, BATCH, D_MODEL)

# --- scband reference (transcript-rebuilt; emitter-appended) ---
"""Pipeline reference for scband-memory-embedding-2783138807914 (READ-ONLY COPY).

The authoritative reference and input builder live on the scoring server;
editing this copy changes nothing except your own understanding.
"""

import jax, jax.numpy as jnp
import numpy as np

D_MODEL = 128
MEMORY_LEN = 200
BATCH = 4096
NUM_PITCH = 5  # num_pitch_type(3) + 2
NUM_LABEL = 5
EMB_SCALE = float(np.sqrt(D_MODEL))  # scale_embedding=True
LN_EPS = 1e-5


def setup_inputs(seed: int = 0) -> dict:
    key = jax.random.key(seed)
    k1, k2, k3, k4, k5 = jax.random.split(key, 5)
    x_pitch = jax.random.randint(k1, (BATCH, MEMORY_LEN), 0, NUM_PITCH, dtype=jnp.int32)
    x_label = jax.random.randint(k2, (BATCH, MEMORY_LEN), 0, NUM_LABEL, dtype=jnp.int32)
    pos_table = jax.random.normal(k3, (MEMORY_LEN, D_MODEL), dtype=jnp.float32)
    pitch_table = jax.random.normal(k4, (NUM_PITCH, D_MODEL), dtype=jnp.float32)
    label_table = jax.random.normal(k5, (NUM_LABEL, D_MODEL), dtype=jnp.float32)
    ln_gamma = jnp.ones((D_MODEL,), dtype=jnp.float32)
    ln_beta = jnp.zeros((D_MODEL,), dtype=jnp.float32)
    return {
        "x_pitch": x_pitch,
        "x_label": x_label,
        "pos_table": pos_table,
        "pitch_table": pitch_table,
        "label_table": label_table,
        "ln_gamma": ln_gamma,
        "ln_beta": ln_beta,
    }


def reference(x_pitch, x_label, pos_table, pitch_table, label_table, ln_gamma, ln_beta):
    # pos(arange(memory_len)) -> [L, d], broadcast over batch
    pos = jnp.take(pos_table, jnp.arange(MEMORY_LEN), axis=0)  # [L, d]
    xp = EMB_SCALE * jnp.take(pitch_table, x_pitch, axis=0) + pos[None, :, :]  # [B, L, d]
    xl = EMB_SCALE * jnp.take(label_table, x_label, axis=0) + pos[None, :, :]  # [B, L, d]
    x = xp + xl
    mean = jnp.mean(x, axis=-1, keepdims=True)
    var = jnp.var(x, axis=-1, keepdims=True)
    x = (x - mean) / jnp.sqrt(var + LN_EPS) * ln_gamma + ln_beta
    # dropout is identity in eval mode
    return jnp.transpose(x, (1, 0, 2))  # [L, B, d]

if __name__ == "__main__":
    import jax
    _d = setup_inputs()
    print(jax.jit(kernel)(*tuple(_d.values())))

</pallas_src>

<mosaic_0001>
#map = affine_map<(d0, d1) -> (0, 0)>
module attributes {stable_mosaic.version = 14 : i64} {
  func.func @k(%arg0: i32, %arg1: i32, %arg2: memref<5000x128xf32, #tpu.memory_space<hbm>>, %arg3: memref<6400x128xi32, #tpu.memory_space<hbm>>, %arg4: memref<819200x128xf32, #tpu.memory_space<hbm>>, %arg5: memref<5000x128xf32, #tpu.memory_space<vmem_shared>>, %arg6: memref<!tpu.dma_semaphore, #tpu.memory_space<semaphore_mem>>, %arg7: memref<!tpu.dma_semaphore, #tpu.memory_space<semaphore_mem>>) attributes {dimension_semantics = [#tpu.dimension_semantics<core_parallel>, #tpu.dimension_semantics<subcore_parallel>], iteration_bounds = array<i64: 2, 16>, scalar_prefetch = 0 : i64, scratch_operands = 3 : i64, tpu.core_type = #tpu.core_type<sc_vector_subcore>, window_params = [{transform_indices = #map}, {transform_indices = #map}, {transform_indices = #map}]} {
    %lt3A = arith.constant 15 : i32
    %lt3A_0 = arith.cmpi slt, %arg1, %lt3A : i32
    %convert_element_type3A = arith.extui %lt3A_0 : i1 to i32
    %cond3A = arith.constant 0 : i32
    %cond3A_1 = arith.cmpi ne, %convert_element_type3A, %cond3A : i32
    scf.if %cond3A_1 {
      %mul3A_13 = arith.constant 312 : i32
      %mul3A_14 = arith.muli %arg1, %mul3A_13 : i32
      %mul3A_15 = arith.constant 312 : i32
      %mul3A_16 = arith.muli %arg1, %mul3A_15 : i32
      "tpu.region"() ({
        %run_scoped3A = tpu.sem_alloc : memref<!tpu.dma_semaphore, #tpu.memory_space<semaphore_mem>>
        %dma_start3A = arith.constant 0 : i32
        %dma_start3A_17 = tpu.memref_slice %arg5[%mul3A_16, %dma_start3A] : memref<5000x128xf32, #tpu.memory_space<vmem_shared>> -> memref<312x128xf32, #tpu.memory_space<vmem_shared>>
        %dma_start3A_18 = arith.constant 0 : i32
        %dma_start3A_19 = tpu.memref_slice %arg2[%mul3A_14, %dma_start3A_18] : memref<5000x128xf32, #tpu.memory_space<hbm>> -> memref<312x128xf32, #tpu.memory_space<hbm>>
        tpu.enqueue_dma source(%dma_start3A_19 : memref<312x128xf32, #tpu.memory_space<hbm>>) target(%dma_start3A_17 : memref<312x128xf32, #tpu.memory_space<vmem_shared>>) target_semaphore(%run_scoped3A : memref<!tpu.dma_semaphore, #tpu.memory_space<semaphore_mem>>)
        %dma_wait3A = arith.constant 0 : i32
        %dma_wait3A_20 = tpu.memref_slice %arg5[%mul3A_16, %dma_wait3A] : memref<5000x128xf32, #tpu.memory_space<vmem_shared>> -> memref<312x128xf32, #tpu.memory_space<vmem_shared>>
        %dma_wait3A_21 = arith.constant 0 : i32
        %dma_wait3A_22 = tpu.memref_slice %arg2[%mul3A_14, %dma_wait3A_21] : memref<5000x128xf32, #tpu.memory_space<hbm>> -> memref<312x128xf32, #tpu.memory_space<hbm>>
        tpu.wait_dma2 semaphore(%run_scoped3A : memref<!tpu.dma_semaphore, #tpu.memory_space<semaphore_mem>>) src(%dma_wait3A_22 : memref<312x128xf32, #tpu.memory_space<hbm>>) dst(%dma_wait3A_20 : memref<312x128xf32, #tpu.memory_space<vmem_shared>>)
        tpu.yield
      }) : () -> ()
    } else {
    }
    %eq3A = arith.constant 15 : i32
    %eq3A_2 = arith.cmpi eq, %arg1, %eq3A : i32
    %convert_element_type3A_3 = arith.extui %eq3A_2 : i1 to i32
    %cond3A_4 = arith.constant 0 : i32
    %cond3A_5 = arith.cmpi ne, %convert_element_type3A_3, %cond3A_4 : i32
    scf.if %cond3A_5 {
      "tpu.region"() ({
        %run_scoped3A = tpu.sem_alloc : memref<!tpu.dma_semaphore, #tpu.memory_space<semaphore_mem>>
        %dma_start3A = arith.constant 4680 : i32
        %dma_start3A_13 = arith.constant 0 : i32
        %dma_start3A_14 = tpu.memref_slice %arg5[%dma_start3A, %dma_start3A_13] : memref<5000x128xf32, #tpu.memory_space<vmem_shared>> -> memref<320x128xf32, #tpu.memory_space<vmem_shared>>
        %dma_start3A_15 = arith.constant 4680 : i32
        %dma_start3A_16 = arith.constant 0 : i32
        %dma_start3A_17 = tpu.memref_slice %arg2[%dma_start3A_15, %dma_start3A_16] : memref<5000x128xf32, #tpu.memory_space<hbm>> -> memref<320x128xf32, #tpu.memory_space<hbm>>
        tpu.enqueue_dma source(%dma_start3A_17 : memref<320x128xf32, #tpu.memory_space<hbm>>) target(%dma_start3A_14 : memref<320x128xf32, #tpu.memory_space<vmem_shared>>) target_semaphore(%run_scoped3A : memref<!tpu.dma_semaphore, #tpu.memory_space<semaphore_mem>>)
        %dma_wait3A = arith.constant 4680 : i32
        %dma_wait3A_18 = arith.constant 0 : i32
        %dma_wait3A_19 = tpu.memref_slice %arg5[%dma_wait3A, %dma_wait3A_18] : memref<5000x128xf32, #tpu.memory_space<vmem_shared>> -> memref<320x128xf32, #tpu.memory_space<vmem_shared>>
        %dma_wait3A_20 = arith.constant 4680 : i32
        %dma_wait3A_21 = arith.constant 0 : i32
        %dma_wait3A_22 = tpu.memref_slice %arg2[%dma_wait3A_20, %dma_wait3A_21] : memref<5000x128xf32, #tpu.memory_space<hbm>> -> memref<320x128xf32, #tpu.memory_space<hbm>>
        tpu.wait_dma2 semaphore(%run_scoped3A : memref<!tpu.dma_semaphore, #tpu.memory_space<semaphore_mem>>) src(%dma_wait3A_22 : memref<320x128xf32, #tpu.memory_space<hbm>>) dst(%dma_wait3A_19 : memref<320x128xf32, #tpu.memory_space<vmem_shared>>)
        tpu.yield
      }) : () -> ()
    } else {
    }
    %barrier3A = arith.constant 0 : index
    tpu.barrier barrier_id(%barrier3A)
    %mul3A = arith.constant 1 : i32
    %mul3A_6 = arith.muli %arg1, %mul3A : i32
    %add3A = arith.constant 0 : i32
    %add3A_7 = arith.addi %add3A, %mul3A_6 : i32
    %mul3A_8 = arith.constant 16 : i32
    %mul3A_9 = arith.muli %arg0, %mul3A_8 : i32
    %add3A_10 = arith.addi %add3A_7, %mul3A_9 : i32
    %mul3A_11 = arith.constant 100 : i32
    %mul3A_12 = arith.muli %add3A_10, %mul3A_11 : i32
    "tpu.region"() ({
      %run_scoped3A = memref.alloca() : memref<2x2x128xi32, #tpu.memory_space<vmem>>
      %run_scoped3A_13 = tpu.sem_alloc : memref<2x!tpu.dma_semaphore, #tpu.memory_space<semaphore_mem>>
      %run_scoped3A_14 = memref.alloca() : memref<2x256x128xf32, #tpu.memory_space<vmem>>
      %run_scoped3A_15 = tpu.sem_alloc : memref<2x!tpu.dma_semaphore, #tpu.memory_space<semaphore_mem>>
      %add3A_16 = arith.constant 0 : i32
      %add3A_17 = arith.addi %add3A_16, %mul3A_12 : i32
      %select_n3A = arith.constant true
      %select_n3A_18 = arith.constant 0 : i32
      %select_n3A_19 = arith.constant -1 : i32
      %select_n3A_20 = arith.select %select_n3A, %select_n3A_19, %select_n3A_18 : i32
      %eq3A_21 = arith.constant -1 : i32
      %eq3A_22 = arith.cmpi eq, %select_n3A_20, %eq3A_21 : i32
      %select_n3A_23 = arith.constant 99 : i32
      %select_n3A_24 = arith.select %eq3A_22, %select_n3A_23, %select_n3A_20 : i32
      %add3A_25 = arith.addi %select_n3A_24, %mul3A_12 : i32
      %select_n3A_26 = arith.constant true
      %select_n3A_27 = arith.constant 0 : i32
      %select_n3A_28 = arith.constant 1 : i32
      %select_n3A_29 = arith.select %select_n3A_26, %select_n3A_28, %select_n3A_27 : i32
      %eq3A_30 = arith.constant 100 : i32
      %eq3A_31 = arith.cmpi eq, %select_n3A_29, %eq3A_30 : i32
      %select_n3A_32 = arith.constant 0 : i32
      %select_n3A_33 = arith.select %eq3A_31, %select_n3A_32, %select_n3A_29 : i32
      %add3A_34 = arith.addi %select_n3A_33, %mul3A_12 : i32
      %add3A_35 = arith.constant 1 : i32
      %add3A_36 = arith.addi %select_n3A_33, %add3A_35 : i32
      %select_n3A_37 = arith.constant true
      %select_n3A_38 = arith.select %select_n3A_37, %add3A_36, %select_n3A_33 : i32
      %eq3A_39 = arith.constant 100 : i32
      %eq3A_40 = arith.cmpi eq, %select_n3A_38, %eq3A_39 : i32
      %select_n3A_41 = arith.constant 0 : i32
      %select_n3A_42 = arith.select %eq3A_40, %select_n3A_41, %select_n3A_38 : i32
      %add3A_43 = arith.addi %select_n3A_42, %mul3A_12 : i32
      "tpu.trace_start"() <{level = 10 : i32, message = "ep_initialize_0"}> : () -> ()
      %rem3A = arith.constant 0 : i32
      %rem3A_44 = arith.constant 2 : i32
      %rem3A_45 = arith.remui %rem3A, %rem3A_44 : i32
      %mul3A_46 = arith.constant 2 : i32
      %mul3A_47 = arith.muli %mul3A_46, %add3A_17 : i32
      %dma_start3A = arith.constant 0 : i32
      %dma_start3A_48 = arith.constant 0 : i32
      %dma_start3A_49 = tpu.memref_slice %run_scoped3A[%rem3A_45, %dma_start3A, %dma_start3A_48] : memref<2x2x128xi32, #tpu.memory_space<vmem>> -> memref<1x2x128xi32, #tpu.memory_space<vmem>>
      %dma_start3A_50 = tpu.memref_squeeze %dma_start3A_49 : memref<1x2x128xi32, #tpu.memory_space<vmem>> -> memref<2x128xi32, #tpu.memory_space<vmem>>
      %dma_start3A_51 = arith.constant 0 : i32
      %dma_start3A_52 = tpu.memref_slice %arg3[%mul3A_47, %dma_start3A_51] : memref<6400x128xi32, #tpu.memory_space<hbm>> -> memref<2x128xi32, #tpu.memory_space<hbm>>
      %dma_start3A_53 = tpu.memref_slice %run_scoped3A_13[%rem3A_45] : memref<2x!tpu.dma_semaphore, #tpu.memory_space<semaphore_mem>> -> memref<1x!tpu.dma_semaphore, #tpu.memory_space<semaphore_mem>>
      %dma_start3A_54 = tpu.memref_squeeze %dma_start3A_53 : memref<1x!tpu.dma_semaphore, #tpu.memory_space<semaphore_mem>> -> memref<!tpu.dma_semaphore, #tpu.memory_space<semaphore_mem>>
      %dma_start3A_55 = arith.constant 0 : i32
      %dma_start3A_56 = arith.constant 0 : i32
      %dma_start3A_57 = tpu.memref_slice %run_scoped3A[%rem3A_45, %dma_start3A_55, %dma_start3A_56] : memref<2x2x128xi32, #tpu.memory_space<vmem>> -> memref<1x2x128xi32, #tpu.memory_space<vmem>>
      %dma_start3A_58 = tpu.memref_squeeze %dma_start3A_57 : memref<1x2x128xi32, #tpu.memory_space<vmem>> -> memref<2x128xi32, #tpu.memory_space<vmem>>
      %dma_start3A_59 = arith.constant 0 : i32
      %dma_start3A_60 = tpu.memref_slice %arg3[%mul3A_47, %dma_start3A_59] : memref<6400x128xi32, #tpu.memory_space<hbm>> -> memref<2x128xi32, #tpu.memory_space<hbm>>
      tpu.enqueue_dma source(%dma_start3A_60 : memref<2x128xi32, #tpu.memory_space<hbm>>) target(%dma_start3A_58 : memref<2x128xi32, #tpu.memory_space<vmem>>) target_semaphore(%dma_start3A_54 : memref<!tpu.dma_semaphore, #tpu.memory_space<semaphore_mem>>)
      %add3A_61 = arith.constant 0 : i32
      %add3A_62 = arith.constant 1 : i32
      %add3A_63 = arith.addi %add3A_61, %add3A_62 : i32
      %select_n3A_64 = arith.constant true
      %select_n3A_65 = arith.constant 0 : i32
      %select_n3A_66 = arith.select %select_n3A_64, %add3A_63, %select_n3A_65 : i32
      "tpu.trace_stop"() : () -> ()
      %scan3A = arith.constant 0 : i32
      %scan3A_67 = arith.constant 0 : i32
      %scan3A_68 = arith.constant 0 : i32
      %scan3A_69 = arith.constant 0 : i32
      %scan3A_70 = arith.constant 0 : i32
      %scan3A_71 = arith.constant 100 : i32
      %scan3A_72 = arith.addi %scan3A_70, %scan3A_71 : i32
      %scan3A_73 = arith.constant 1 : i32
      %scan3A_74:5 = scf.for %scan3A_128 = %scan3A_70 to %scan3A_72 step %scan3A_73 iter_args(%scan3A_129 = %select_n3A_66, %scan3A_130 = %scan3A, %scan3A_131 = %scan3A_67, %scan3A_132 = %scan3A_68, %scan3A_133 = %scan3A_69) -> (i32, i32, i32, i32, i32)  : i32 {
        %eq3A_134 = arith.constant 0 : i32
        %eq3A_135 = arith.cmpi eq, %scan3A_128, %eq3A_134 : i32
        %eq3A_136 = arith.constant 99 : i32
        %eq3A_137 = arith.cmpi eq, %scan3A_128, %eq3A_136 : i32
        %add3A_138 = arith.addi %scan3A_133, %mul3A_12 : i32
        %sub3A_139 = arith.constant 1 : i32
        %sub3A_140 = arith.subi %scan3A_133, %sub3A_139 : i32
        %select_n3A_141 = arith.constant true
        %select_n3A_142 = arith.select %select_n3A_141, %sub3A_140, %scan3A_133 : i32
        %eq3A_143 = arith.constant -1 : i32
        %eq3A_144 = arith.cmpi eq, %select_n3A_142, %eq3A_143 : i32
        %select_n3A_145 = arith.constant 99 : i32
        %select_n3A_146 = arith.select %eq3A_144, %select_n3A_145, %select_n3A_142 : i32
        %add3A_147 = arith.addi %select_n3A_146, %mul3A_12 : i32
        %add3A_148 = arith.constant 1 : i32
        %add3A_149 = arith.addi %scan3A_133, %add3A_148 : i32
        %select_n3A_150 = arith.constant true
        %select_n3A_151 = arith.select %select_n3A_150, %add3A_149, %scan3A_133 : i32
        %eq3A_152 = arith.constant 100 : i32
        %eq3A_153 = arith.cmpi eq, %select_n3A_151, %eq3A_152 : i32
        %select_n3A_154 = arith.constant 0 : i32
        %select_n3A_155 = arith.select %eq3A_153, %select_n3A_154, %select_n3A_151 : i32
        %add3A_156 = arith.addi %select_n3A_155, %mul3A_12 : i32
        %add3A_157 = arith.constant 1 : i32
        %add3A_158 = arith.addi %select_n3A_155, %add3A_157 : i32
        %select_n3A_159 = arith.constant true
        %select_n3A_160 = arith.select %select_n3A_159, %add3A_158, %select_n3A_155 : i32
        %eq3A_161 = arith.constant 100 : i32
        %eq3A_162 = arith.cmpi eq, %select_n3A_160, %eq3A_161 : i32
        %select_n3A_163 = arith.constant 0 : i32
        %select_n3A_164 = arith.select %eq3A_162, %select_n3A_163, %select_n3A_160 : i32
        %add3A_165 = arith.addi %select_n3A_164, %mul3A_12 : i32
        %ne3A = arith.cmpi ne, %add3A_138, %add3A_156 : i32
        %or3A = arith.constant false
        %or3A_166 = arith.ori %or3A, %ne3A : i1
        %or3A_167 = arith.constant false
        %or3A_168 = arith.ori %or3A_166, %or3A_167 : i1
        %ge3A = arith.constant 99 : i32
        %ge3A_169 = arith.cmpi sge, %scan3A_128, %ge3A : i32
        %not3A = arith.constant true
        %not3A_170 = arith.xori %ge3A_169, %not3A : i1
        %and3A = arith.andi %or3A_168, %not3A_170 : i1
        %convert_element_type3A_171 = arith.extui %and3A : i1 to i32
        %cond3A_172 = arith.constant 0 : i32
        %cond3A_173 = arith.cmpi ne, %convert_element_type3A_171, %cond3A_172 : i32
        scf.if %cond3A_173 {
          "tpu.trace_start"() <{level = 10 : i32, message = "ep_copy_in"}> : () -> ()
          %rem3A_354 = arith.constant 2 : i32
          %rem3A_355 = arith.remui %scan3A_129, %rem3A_354 : i32
          %mul3A_356 = arith.constant 2 : i32
          %mul3A_357 = arith.muli %mul3A_356, %add3A_156 : i32
          %dma_start3A_358 = arith.constant 0 : i32
          %dma_start3A_359 = arith.constant 0 : i32
          %dma_start3A_360 = tpu.memref_slice %run_scoped3A[%rem3A_355, %dma_start3A_358, %dma_start3A_359] : memref<2x2x128xi32, #tpu.memory_space<vmem>> -> memref<1x2x128xi32, #tpu.memory_space<vmem>>
          %dma_start3A_361 = tpu.memref_squeeze %dma_start3A_360 : memref<1x2x128xi32, #tpu.memory_space<vmem>> -> memref<2x128xi32, #tpu.memory_space<vmem>>
          %dma_start3A_362 = arith.constant 0 : i32
          %dma_start3A_363 = tpu.memref_slice %arg3[%mul3A_357, %dma_start3A_362] : memref<6400x128xi32, #tpu.memory_space<hbm>> -> memref<2x128xi32, #tpu.memory_space<hbm>>
          %dma_start3A_364 = tpu.memref_slice %run_scoped3A_13[%rem3A_355] : memref<2x!tpu.dma_semaphore, #tpu.memory_space<semaphore_mem>> -> memref<1x!tpu.dma_semaphore, #tpu.memory_space<semaphore_mem>>
          %dma_start3A_365 = tpu.memref_squeeze %dma_start3A_364 : memref<1x!tpu.dma_semaphore, #tpu.memory_space<semaphore_mem>> -> memref<!tpu.dma_semaphore, #tpu.memory_space<semaphore_mem>>
          %dma_start3A_366 = arith.constant 0 : i32
          %dma_start3A_367 = arith.constant 0 : i32
          %dma_start3A_368 = tpu.memref_slice %run_scoped3A[%rem3A_355, %dma_start3A_366, %dma_start3A_367] : memref<2x2x128xi32, #tpu.memory_space<vmem>> -> memref<1x2x128xi32, #tpu.memory_space<vmem>>
          %dma_start3A_369 = tpu.memref_squeeze %dma_start3A_368 : memref<1x2x128xi32, #tpu.memory_space<vmem>> -> memref<2x128xi32, #tpu.memory_space<vmem>>
          %dma_start3A_370 = arith.constant 0 : i32
          %dma_start3A_371 = tpu.memref_slice %arg3[%mul3A_357, %dma_start3A_370] : memref<6400x128xi32, #tpu.memory_space<hbm>> -> memref<2x128xi32, #tpu.memory_space<hbm>>
          tpu.enqueue_dma source(%dma_start3A_371 : memref<2x128xi32, #tpu.memory_space<hbm>>) target(%dma_start3A_369 : memref<2x128xi32, #tpu.memory_space<vmem>>) target_semaphore(%dma_start3A_365 : memref<!tpu.dma_semaphore, #tpu.memory_space<semaphore_mem>>)
          "tpu.trace_stop"() : () -> ()
        } else {
        }
        %and3A_174 = arith.constant true
        %and3A_175 = arith.andi %and3A, %and3A_174 : i1
        %add3A_176 = arith.constant 1 : i32
        %add3A_177 = arith.addi %scan3A_129, %add3A_176 : i32
        %select_n3A_178 = arith.select %and3A_175, %add3A_177, %scan3A_129 : i32
        %ne3A_179 = arith.cmpi ne, %add3A_138, %add3A_156 : i32
        %or3A_180 = arith.constant false
        %or3A_181 = arith.ori %or3A_180, %ne3A_179 : i1
        %or3A_182 = arith.constant false
        %or3A_183 = arith.ori %or3A_181, %or3A_182 : i1
        %ge3A_184 = arith.constant 99 : i32
        %ge3A_185 = arith.cmpi sge, %scan3A_128, %ge3A_184 : i32
        %not3A_186 = arith.constant true
        %not3A_187 = arith.xori %ge3A_185, %not3A_186 : i1
        %and3A_188 = arith.andi %or3A_183, %not3A_187 : i1
        %ne3A_189 = arith.cmpi ne, %add3A_138, %add3A_147 : i32
        %or3A_190 = arith.constant false
        %or3A_191 = arith.ori %or3A_190, %ne3A_189 : i1
        %or3A_192 = arith.constant false
        %or3A_193 = arith.ori %or3A_191, %or3A_192 : i1
        %or3A_194 = arith.ori %or3A_193, %eq3A_135 : i1
        %convert_element_type3A_195 = arith.extui %or3A_194 : i1 to i32
        %cond3A_196 = arith.constant 0 : i32
        %cond3A_197 = arith.cmpi ne, %convert_element_type3A_195, %cond3A_196 : i32
        scf.if %cond3A_197 {
          "tpu.trace_start"() <{level = 10 : i32, message = "ep_wait_in"}> : () -> ()
          %mul3A_354 = arith.constant 2 : i32
          %mul3A_355 = arith.muli %mul3A_354, %add3A_138 : i32
          %rem3A_356 = arith.constant 2 : i32
          %rem3A_357 = arith.remui %scan3A_130, %rem3A_356 : i32
          %dma_wait3A_358 = arith.constant 0 : i32
          %dma_wait3A_359 = arith.constant 0 : i32
          %dma_wait3A_360 = tpu.memref_slice %run_scoped3A[%rem3A_357, %dma_wait3A_358, %dma_wait3A_359] : memref<2x2x128xi32, #tpu.memory_space<vmem>> -> memref<1x2x128xi32, #tpu.memory_space<vmem>>
          %dma_wait3A_361 = tpu.memref_squeeze %dma_wait3A_360 : memref<1x2x128xi32, #tpu.memory_space<vmem>> -> memref<2x128xi32, #tpu.memory_space<vmem>>
          %dma_wait3A_362 = arith.constant 0 : i32
          %dma_wait3A_363 = tpu.memref_slice %arg3[%mul3A_355, %dma_wait3A_362] : memref<6400x128xi32, #tpu.memory_space<hbm>> -> memref<2x128xi32, #tpu.memory_space<hbm>>
          %dma_wait3A_364 = tpu.memref_slice %run_scoped3A_13[%rem3A_357] : memref<2x!tpu.dma_semaphore, #tpu.memory_space<semaphore_mem>> -> memref<1x!tpu.dma_semaphore, #tpu.memory_space<semaphore_mem>>
          %dma_wait3A_365 = tpu.memref_squeeze %dma_wait3A_364 : memref<1x!tpu.dma_semaphore, #tpu.memory_space<semaphore_mem>> -> memref<!tpu.dma_semaphore, #tpu.memory_space<semaphore_mem>>
          %dma_wait3A_366 = arith.constant 0 : i32
          %dma_wait3A_367 = arith.constant 0 : i32
          %dma_wait3A_368 = tpu.memref_slice %run_scoped3A[%rem3A_357, %dma_wait3A_366, %dma_wait3A_367] : memref<2x2x128xi32, #tpu.memory_space<vmem>> -> memref<1x2x128xi32, #tpu.memory_space<vmem>>
          %dma_wait3A_369 = tpu.memref_squeeze %dma_wait3A_368 : memref<1x2x128xi32, #tpu.memory_space<vmem>> -> memref<2x128xi32, #tpu.memory_space<vmem>>
          %dma_wait3A_370 = arith.constant 0 : i32
          %dma_wait3A_371 = tpu.memref_slice %arg3[%mul3A_355, %dma_wait3A_370] : memref<6400x128xi32, #tpu.memory_space<hbm>> -> memref<2x128xi32, #tpu.memory_space<hbm>>
          tpu.wait_dma2 semaphore(%dma_wait3A_365 : memref<!tpu.dma_semaphore, #tpu.memory_space<semaphore_mem>>) src(%dma_wait3A_371 : memref<2x128xi32, #tpu.memory_space<hbm>>) dst(%dma_wait3A_369 : memref<2x128xi32, #tpu.memory_space<vmem>>)
          "tpu.trace_stop"() : () -> ()
        } else {
        }
        %ne3A_198 = arith.cmpi ne, %add3A_138, %add3A_147 : i32
        %or3A_199 = arith.constant false
        %or3A_200 = arith.ori %or3A_199, %ne3A_198 : i1
        %or3A_201 = arith.constant false
        %or3A_202 = arith.ori %or3A_200, %or3A_201 : i1
        %or3A_203 = arith.ori %or3A_202, %eq3A_135 : i1
        %convert_element_type3A_204 = arith.extui %or3A_203 : i1 to i32
        %cond3A_205 = arith.constant 0 : i32
        %cond3A_206 = arith.cmpi ne, %convert_element_type3A_204, %cond3A_205 : i32
        scf.if %cond3A_206 {
        } else {
        }
        %rem3A_207 = arith.constant 2 : i32
        %rem3A_208 = arith.remui %scan3A_130, %rem3A_207 : i32
        %rem3A_209 = arith.constant 2 : i32
        %rem3A_210 = arith.remui %scan3A_131, %rem3A_209 : i32
        %dma_start3A_211 = arith.constant 0 : i32
        "tpu.trace_start"() <{level = 10 : i32, message = "ep_run_kernel"}> : () -> ()
        %dma_start3A_212 = arith.constant 0 : i32
        %dma_start3A_213 = arith.constant 0 : i32
        %dma_start3A_214 = tpu.memref_slice %run_scoped3A_14[%rem3A_210, %dma_start3A_212, %dma_start3A_213] : memref<2x256x128xf32, #tpu.memory_space<vmem>> -> memref<1x256x128xf32, #tpu.memory_space<vmem>>
        %dma_start3A_215 = tpu.memref_squeeze %dma_start3A_214 : memref<1x256x128xf32, #tpu.memory_space<vmem>> -> memref<256x128xf32, #tpu.memory_space<vmem>>
        %dma_start3A_216 = arith.constant 0 : i32
        %dma_start3A_217 = arith.constant 0 : i32
        %dma_start3A_218 = tpu.memref_slice %dma_start3A_215[%dma_start3A_216, %dma_start3A_217] : memref<256x128xf32, #tpu.memory_space<vmem>> -> memref<128x128xf32, #tpu.memory_space<vmem>>
        %dma_start3A_219 = arith.constant 0 : i32
        %dma_start3A_220 = arith.constant 0 : i32
        %dma_start3A_221 = tpu.memref_slice %run_scoped3A[%rem3A_208, %dma_start3A_219, %dma_start3A_220] : memref<2x2x128xi32, #tpu.memory_space<vmem>> -> memref<1x2x128xi32, #tpu.memory_space<vmem>>
        %dma_start3A_222 = tpu.memref_squeeze %dma_start3A_221 : memref<1x2x128xi32, #tpu.memory_space<vmem>> -> memref<2x128xi32, #tpu.memory_space<vmem>>
        %dma_start3A_223 = arith.constant 0 : i32
        %dma_start3A_224 = tpu.memref_slice %dma_start3A_222[%dma_start3A_211, %dma_start3A_223] : memref<2x128xi32, #tpu.memory_space<vmem>> -> memref<1x128xi32, #tpu.memory_space<vmem>>
        %dma_start3A_225 = tpu.memref_squeeze %dma_start3A_224 : memref<1x128xi32, #tpu.memory_space<vmem>> -> memref<128xi32, #tpu.memory_space<vmem>>
        %dma_start3A_226 = arith.constant 0 : i32
        %dma_start3A_227 = arith.constant 0 : i32
        %dma_start3A_228 = tpu.memref_slice %arg5[%dma_start3A_226, %dma_start3A_227] : memref<5000x128xf32, #tpu.memory_space<vmem_shared>> -> memref<5000x128xf32, #tpu.memory_space<vmem_shared>>
        tpu.enqueue_indirect_dma source(%dma_start3A_228 : memref<5000x128xf32, #tpu.memory_space<vmem_shared>>) target(%dma_start3A_218 : memref<128x128xf32, #tpu.memory_space<vmem>>) offsets(%dma_start3A_225 : memref<128xi32, #tpu.memory_space<vmem>>) semaphore(%arg6 : memref<!tpu.dma_semaphore, #tpu.memory_space<semaphore_mem>>)
        %dma_start3A_229 = arith.constant 1 : i32
        %dma_start3A_230 = arith.constant 0 : i32
        %dma_start3A_231 = arith.constant 0 : i32
        %dma_start3A_232 = tpu.memref_slice %run_scoped3A_14[%rem3A_210, %dma_start3A_230, %dma_start3A_231] : memref<2x256x128xf32, #tpu.memory_space<vmem>> -> memref<1x256x128xf32, #tpu.memory_space<vmem>>
        %dma_start3A_233 = tpu.memref_squeeze %dma_start3A_232 : memref<1x256x128xf32, #tpu.memory_space<vmem>> -> memref<256x128xf32, #tpu.memory_space<vmem>>
        %dma_start3A_234 = arith.constant 128 : i32
        %dma_start3A_235 = arith.constant 0 : i32
        %dma_start3A_236 = tpu.memref_slice %dma_start3A_233[%dma_start3A_234, %dma_start3A_235] : memref<256x128xf32, #tpu.memory_space<vmem>> -> memref<128x128xf32, #tpu.memory_space<vmem>>
        %dma_start3A_237 = arith.constant 0 : i32
        %dma_start3A_238 = arith.constant 0 : i32
        %dma_start3A_239 = tpu.memref_slice %run_scoped3A[%rem3A_208, %dma_start3A_237, %dma_start3A_238] : memref<2x2x128xi32, #tpu.memory_space<vmem>> -> memref<1x2x128xi32, #tpu.memory_space<vmem>>
        %dma_start3A_240 = tpu.memref_squeeze %dma_start3A_239 : memref<1x2x128xi32, #tpu.memory_space<vmem>> -> memref<2x128xi32, #tpu.memory_space<vmem>>
        %dma_start3A_241 = arith.constant 0 : i32
        %dma_start3A_242 = tpu.memref_slice %dma_start3A_240[%dma_start3A_229, %dma_start3A_241] : memref<2x128xi32, #tpu.memory_space<vmem>> -> memref<1x128xi32, #tpu.memory_space<vmem>>
        %dma_start3A_243 = tpu.memref_squeeze %dma_start3A_242 : memref<1x128xi32, #tpu.memory_space<vmem>> -> memref<128xi32, #tpu.memory_space<vmem>>
        %dma_start3A_244 = arith.constant 0 : i32
        %dma_start3A_245 = arith.constant 0 : i32
        %dma_start3A_246 = tpu.memref_slice %arg5[%dma_start3A_244, %dma_start3A_245] : memref<5000x128xf32, #tpu.memory_space<vmem_shared>> -> memref<5000x128xf32, #tpu.memory_space<vmem_shared>>
        tpu.enqueue_indirect_dma source(%dma_start3A_246 : memref<5000x128xf32, #tpu.memory_space<vmem_shared>>) target(%dma_start3A_236 : memref<128x128xf32, #tpu.memory_space<vmem>>) offsets(%dma_start3A_243 : memref<128xi32, #tpu.memory_space<vmem>>) semaphore(%arg7 : memref<!tpu.dma_semaphore, #tpu.memory_space<semaphore_mem>>)
        %dma_wait3A_247 = arith.constant 0 : i32
        %dma_wait3A_248 = arith.constant 0 : i32
        %dma_wait3A_249 = arith.constant 0 : i32
        %dma_wait3A_250 = tpu.memref_slice %run_scoped3A_14[%rem3A_210, %dma_wait3A_248, %dma_wait3A_249] : memref<2x256x128xf32, #tpu.memory_space<vmem>> -> memref<1x256x128xf32, #tpu.memory_space<vmem>>
        %dma_wait3A_251 = tpu.memref_squeeze %dma_wait3A_250 : memref<1x256x128xf32, #tpu.memory_space<vmem>> -> memref<256x128xf32, #tpu.memory_space<vmem>>
        %dma_wait3A_252 = arith.constant 0 : i32
        %dma_wait3A_253 = arith.constant 0 : i32
        %dma_wait3A_254 = tpu.memref_slice %dma_wait3A_251[%dma_wait3A_252, %dma_wait3A_253] : memref<256x128xf32, #tpu.memory_space<vmem>> -> memref<128x128xf32, #tpu.memory_space<vmem>>
        %dma_wait3A_255 = arith.constant 0 : i32
        %dma_wait3A_256 = arith.constant 0 : i32
        %dma_wait3A_257 = tpu.memref_slice %run_scoped3A[%rem3A_208, %dma_wait3A_255, %dma_wait3A_256] : memref<2x2x128xi32, #tpu.memory_space<vmem>> -> memref<1x2x128xi32, #tpu.memory_space<vmem>>
        %dma_wait3A_258 = tpu.memref_squeeze %dma_wait3A_257 : memref<1x2x128xi32, #tpu.memory_space<vmem>> -> memref<2x128xi32, #tpu.memory_space<vmem>>
        %dma_wait3A_259 = arith.constant 0 : i32
        %dma_wait3A_260 = tpu.memref_slice %dma_wait3A_258[%dma_wait3A_247, %dma_wait3A_259] : memref<2x128xi32, #tpu.memory_space<vmem>> -> memref<1x128xi32, #tpu.memory_space<vmem>>
        %dma_wait3A_261 = tpu.memref_squeeze %dma_wait3A_260 : memref<1x128xi32, #tpu.memory_space<vmem>> -> memref<128xi32, #tpu.memory_space<vmem>>
        %dma_wait3A_262 = arith.constant 0 : i32
        %dma_wait3A_263 = arith.constant 0 : i32
        %dma_wait3A_264 = tpu.memref_slice %arg5[%dma_wait3A_262, %dma_wait3A_263] : memref<5000x128xf32, #tpu.memory_space<vmem_shared>> -> memref<5000x128xf32, #tpu.memory_space<vmem_shared>>
        tpu.wait_indirect_dma semaphore(%arg6 : memref<!tpu.dma_semaphore, #tpu.memory_space<semaphore_mem>>) src(%dma_wait3A_264 : memref<5000x128xf32, #tpu.memory_space<vmem_shared>>) dst(%dma_wait3A_254 : memref<128x128xf32, #tpu.memory_space<vmem>>)
        %dma_wait3A_265 = arith.constant 1 : i32
        %dma_wait3A_266 = arith.constant 0 : i32
        %dma_wait3A_267 = arith.constant 0 : i32
        %dma_wait3A_268 = tpu.memref_slice %run_scoped3A_14[%rem3A_210, %dma_wait3A_266, %dma_wait3A_267] : memref<2x256x128xf32, #tpu.memory_space<vmem>> -> memref<1x256x128xf32, #tpu.memory_space<vmem>>
        %dma_wait3A_269 = tpu.memref_squeeze %dma_wait3A_268 : memref<1x256x128xf32, #tpu.memory_space<vmem>> -> memref<256x128xf32, #tpu.memory_space<vmem>>
        %dma_wait3A_270 = arith.constant 128 : i32
        %dma_wait3A_271 = arith.constant 0 : i32
        %dma_wait3A_272 = tpu.memref_slice %dma_wait3A_269[%dma_wait3A_270, %dma_wait3A_271] : memref<256x128xf32, #tpu.memory_space<vmem>> -> memref<128x128xf32, #tpu.memory_space<vmem>>
        %dma_wait3A_273 = arith.constant 0 : i32
        %dma_wait3A_274 = arith.constant 0 : i32
        %dma_wait3A_275 = tpu.memref_slice %run_scoped3A[%rem3A_208, %dma_wait3A_273, %dma_wait3A_274] : memref<2x2x128xi32, #tpu.memory_space<vmem>> -> memref<1x2x128xi32, #tpu.memory_space<vmem>>
        %dma_wait3A_276 = tpu.memref_squeeze %dma_wait3A_275 : memref<1x2x128xi32, #tpu.memory_space<vmem>> -> memref<2x128xi32, #tpu.memory_space<vmem>>
        %dma_wait3A_277 = arith.constant 0 : i32
        %dma_wait3A_278 = tpu.memref_slice %dma_wait3A_276[%dma_wait3A_265, %dma_wait3A_277] : memref<2x128xi32, #tpu.memory_space<vmem>> -> memref<1x128xi32, #tpu.memory_space<vmem>>
        %dma_wait3A_279 = tpu.memref_squeeze %dma_wait3A_278 : memref<1x128xi32, #tpu.memory_space<vmem>> -> memref<128xi32, #tpu.memory_space<vmem>>
        %dma_wait3A_280 = arith.constant 0 : i32
        %dma_wait3A_281 = arith.constant 0 : i32
        %dma_wait3A_282 = tpu.memref_slice %arg5[%dma_wait3A_280, %dma_wait3A_281] : memref<5000x128xf32, #tpu.memory_space<vmem_shared>> -> memref<5000x128xf32, #tpu.memory_space<vmem_shared>>
        tpu.wait_indirect_dma semaphore(%arg7 : memref<!tpu.dma_semaphore, #tpu.memory_space<semaphore_mem>>) src(%dma_wait3A_282 : memref<5000x128xf32, #tpu.memory_space<vmem_shared>>) dst(%dma_wait3A_272 : memref<128x128xf32, #tpu.memory_space<vmem>>)
        "tpu.trace_stop"() : () -> ()
        %ne3A_283 = arith.cmpi ne, %add3A_138, %add3A_156 : i32
        %or3A_284 = arith.constant false
        %or3A_285 = arith.ori %or3A_284, %ne3A_283 : i1
        %or3A_286 = arith.constant false
        %or3A_287 = arith.ori %or3A_285, %or3A_286 : i1
        %or3A_288 = arith.ori %or3A_287, %eq3A_137 : i1
        %convert_element_type3A_289 = arith.extui %or3A_288 : i1 to i32
        %cond3A_290 = arith.constant 0 : i32
        %cond3A_291 = arith.cmpi ne, %convert_element_type3A_289, %cond3A_290 : i32
        scf.if %cond3A_291 {
        } else {
        }
        %and3A_292 = arith.constant false
        %and3A_293 = arith.andi %or3A_288, %and3A_292 : i1
        %ne3A_294 = arith.cmpi ne, %add3A_138, %add3A_156 : i32
        %or3A_295 = arith.constant false
        %or3A_296 = arith.ori %or3A_295, %ne3A_294 : i1
        %or3A_297 = arith.constant false
        %or3A_298 = arith.ori %or3A_296, %or3A_297 : i1
        %or3A_299 = arith.ori %or3A_298, %eq3A_137 : i1
        %convert_element_type3A_300 = arith.extui %or3A_299 : i1 to i32
        %cond3A_301 = arith.constant 0 : i32
        %cond3A_302 = arith.cmpi ne, %convert_element_type3A_300, %cond3A_301 : i32
        scf.if %cond3A_302 {
          "tpu.trace_start"() <{level = 10 : i32, message = "ep_copy_out"}> : () -> ()
          %rem3A_354 = arith.constant 2 : i32
          %rem3A_355 = arith.remui %scan3A_131, %rem3A_354 : i32
          %mul3A_356 = arith.constant 256 : i32
          %mul3A_357 = arith.muli %mul3A_356, %add3A_138 : i32
          %dma_start3A_358 = arith.constant 0 : i32
          %dma_start3A_359 = arith.constant 0 : i32
          %dma_start3A_360 = tpu.memref_slice %run_scoped3A_14[%rem3A_355, %dma_start3A_358, %dma_start3A_359] : memref<2x256x128xf32, #tpu.memory_space<vmem>> -> memref<1x256x128xf32, #tpu.memory_space<vmem>>
          %dma_start3A_361 = tpu.memref_squeeze %dma_start3A_360 : memref<1x256x128xf32, #tpu.memory_space<vmem>> -> memref<256x128xf32, #tpu.memory_space<vmem>>
          %dma_start3A_362 = arith.constant 0 : i32
          %dma_start3A_363 = tpu.memref_slice %arg4[%mul3A_357, %dma_start3A_362] : memref<819200x128xf32, #tpu.memory_space<hbm>> -> memref<256x128xf32, #tpu.memory_space<hbm>>
          %dma_start3A_364 = tpu.memref_slice %run_scoped3A_15[%rem3A_355] : memref<2x!tpu.dma_semaphore, #tpu.memory_space<semaphore_mem>> -> memref<1x!tpu.dma_semaphore, #tpu.memory_space<semaphore_mem>>
          %dma_start3A_365 = tpu.memref_squeeze %dma_start3A_364 : memref<1x!tpu.dma_semaphore, #tpu.memory_space<semaphore_mem>> -> memref<!tpu.dma_semaphore, #tpu.memory_space<semaphore_mem>>
          %dma_start3A_366 = arith.constant 0 : i32
          %dma_start3A_367 = tpu.memref_slice %arg4[%mul3A_357, %dma_start3A_366] : memref<819200x128xf32, #tpu.memory_space<hbm>> -> memref<256x128xf32, #tpu.memory_space<hbm>>
          %dma_start3A_368 = arith.constant 0 : i32
          %dma_start3A_369 = arith.constant 0 : i32
          %dma_start3A_370 = tpu.memref_slice %run_scoped3A_14[%rem3A_355, %dma_start3A_368, %dma_start3A_369] : memref<2x256x128xf32, #tpu.memory_space<vmem>> -> memref<1x256x128xf32, #tpu.memory_space<vmem>>
          %dma_start3A_371 = tpu.memref_squeeze %dma_start3A_370 : memref<1x256x128xf32, #tpu.memory_space<vmem>> -> memref<256x128xf32, #tpu.memory_space<vmem>>
          tpu.enqueue_dma source(%dma_start3A_371 : memref<256x128xf32, #tpu.memory_space<vmem>>) target(%dma_start3A_367 : memref<256x128xf32, #tpu.memory_space<hbm>>) target_semaphore(%dma_start3A_365 : memref<!tpu.dma_semaphore, #tpu.memory_space<semaphore_mem>>)
          "tpu.trace_stop"() : () -> ()
        } else {
        }
        %and3A_303 = arith.constant true
        %and3A_304 = arith.andi %or3A_299, %and3A_303 : i1
        %add3A_305 = arith.constant 1 : i32
        %add3A_306 = arith.addi %scan3A_131, %add3A_305 : i32
        %select_n3A_307 = arith.select %and3A_304, %add3A_306, %scan3A_131 : i32
        %ne3A_308 = arith.cmpi ne, %add3A_138, %add3A_147 : i32
        %or3A_309 = arith.constant false
        %or3A_310 = arith.ori %or3A_309, %ne3A_308 : i1
        %or3A_311 = arith.constant false
        %or3A_312 = arith.ori %or3A_310, %or3A_311 : i1
        %not3A_313 = arith.constant true
        %not3A_314 = arith.xori %eq3A_135, %not3A_313 : i1
        %and3A_315 = arith.andi %or3A_312, %not3A_314 : i1
        %convert_element_type3A_316 = arith.extui %and3A_315 : i1 to i32
        %cond3A_317 = arith.constant 0 : i32
        %cond3A_318 = arith.cmpi ne, %convert_element_type3A_316, %cond3A_317 : i32
        scf.if %cond3A_318 {
        } else {
        }
        %and3A_319 = arith.constant false
        %and3A_320 = arith.andi %and3A_315, %and3A_319 : i1
        %ne3A_321 = arith.cmpi ne, %add3A_138, %add3A_147 : i32
        %or3A_322 = arith.constant false
        %or3A_323 = arith.ori %or3A_322, %ne3A_321 : i1
        %or3A_324 = arith.constant false
        %or3A_325 = arith.ori %or3A_323, %or3A_324 : i1
        %not3A_326 = arith.constant true
        %not3A_327 = arith.xori %eq3A_135, %not3A_326 : i1
        %and3A_328 = arith.andi %or3A_325, %not3A_327 : i1
        %convert_element_type3A_329 = arith.extui %and3A_328 : i1 to i32
        %cond3A_330 = arith.constant 0 : i32
        %cond3A_331 = arith.cmpi ne, %convert_element_type3A_329, %cond3A_330 : i32
        scf.if %cond3A_331 {
          "tpu.trace_start"() <{level = 10 : i32, message = "ep_wait_out"}> : () -> ()
          %rem3A_354 = arith.constant 2 : i32
          %rem3A_355 = arith.remui %scan3A_132, %rem3A_354 : i32
          %mul3A_356 = arith.constant 256 : i32
          %mul3A_357 = arith.muli %mul3A_356, %add3A_147 : i32
          %dma_wait3A_358 = arith.constant 0 : i32
          %dma_wait3A_359 = arith.constant 0 : i32
          %dma_wait3A_360 = tpu.memref_slice %run_scoped3A_14[%rem3A_355, %dma_wait3A_358, %dma_wait3A_359] : memref<2x256x128xf32, #tpu.memory_space<vmem>> -> memref<1x256x128xf32, #tpu.memory_space<vmem>>
          %dma_wait3A_361 = tpu.memref_squeeze %dma_wait3A_360 : memref<1x256x128xf32, #tpu.memory_space<vmem>> -> memref<256x128xf32, #tpu.memory_space<vmem>>
          %dma_wait3A_362 = arith.constant 0 : i32
          %dma_wait3A_363 = tpu.memref_slice %arg4[%mul3A_357, %dma_wait3A_362] : memref<819200x128xf32, #tpu.memory_space<hbm>> -> memref<256x128xf32, #tpu.memory_space<hbm>>
          %dma_wait3A_364 = tpu.memref_slice %run_scoped3A_15[%rem3A_355] : memref<2x!tpu.dma_semaphore, #tpu.memory_space<semaphore_mem>> -> memref<1x!tpu.dma_semaphore, #tpu.memory_space<semaphore_mem>>
          %dma_wait3A_365 = tpu.memref_squeeze %dma_wait3A_364 : memref<1x!tpu.dma_semaphore, #tpu.memory_space<semaphore_mem>> -> memref<!tpu.dma_semaphore, #tpu.memory_space<semaphore_mem>>
          %dma_wait3A_366 = arith.constant 0 : i32
          %dma_wait3A_367 = tpu.memref_slice %arg4[%mul3A_357, %dma_wait3A_366] : memref<819200x128xf32, #tpu.memory_space<hbm>> -> memref<256x128xf32, #tpu.memory_space<hbm>>
          %dma_wait3A_368 = arith.constant 0 : i32
          %dma_wait3A_369 = arith.constant 0 : i32
          %dma_wait3A_370 = tpu.memref_slice %run_scoped3A_14[%rem3A_355, %dma_wait3A_368, %dma_wait3A_369] : memref<2x256x128xf32, #tpu.memory_space<vmem>> -> memref<1x256x128xf32, #tpu.memory_space<vmem>>
          %dma_wait3A_371 = tpu.memref_squeeze %dma_wait3A_370 : memref<1x256x128xf32, #tpu.memory_space<vmem>> -> memref<256x128xf32, #tpu.memory_space<vmem>>
          tpu.wait_dma2 semaphore(%dma_wait3A_365 : memref<!tpu.dma_semaphore, #tpu.memory_space<semaphore_mem>>) src(%dma_wait3A_371 : memref<256x128xf32, #tpu.memory_space<vmem>>) dst(%dma_wait3A_367 : memref<256x128xf32, #tpu.memory_space<hbm>>)
          "tpu.trace_stop"() : () -> ()
        } else {
        }
        %and3A_332 = arith.constant true
        %and3A_333 = arith.andi %and3A_328, %and3A_332 : i1
        %add3A_334 = arith.constant 1 : i32
        %add3A_335 = arith.addi %scan3A_132, %add3A_334 : i32
        %select_n3A_336 = arith.select %and3A_333, %add3A_335, %scan3A_132 : i32
        %ne3A_337 = arith.cmpi ne, %add3A_138, %add3A_156 : i32
        %or3A_338 = arith.constant false
        %or3A_339 = arith.ori %or3A_338, %ne3A_337 : i1
        %or3A_340 = arith.constant false
        %or3A_341 = arith.ori %or3A_339, %or3A_340 : i1
        %or3A_342 = arith.ori %or3A_341, %eq3A_137 : i1
        %add3A_343 = arith.constant 1 : i32
        %add3A_344 = arith.addi %scan3A_130, %add3A_343 : i32
        %select_n3A_345 = arith.select %or3A_342, %add3A_344, %scan3A_130 : i32
        %add3A_346 = arith.constant 1 : i32
        %add3A_347 = arith.addi %scan3A_133, %add3A_346 : i32
        %select_n3A_348 = arith.constant true
        %select_n3A_349 = arith.select %select_n3A_348, %add3A_347, %scan3A_133 : i32
        %eq3A_350 = arith.constant 100 : i32
        %eq3A_351 = arith.cmpi eq, %select_n3A_349, %eq3A_350 : i32
        %select_n3A_352 = arith.constant 0 : i32
        %select_n3A_353 = arith.select %eq3A_351, %select_n3A_352, %select_n3A_349 : i32
        scf.yield %select_n3A_178, %select_n3A_345, %select_n3A_307, %select_n3A_336, %select_n3A_353 : i32, i32, i32, i32, i32
      }
      %scan3A_75 = arith.constant 100 : i32
      %sub3A = arith.constant 1 : i32
      %sub3A_76 = arith.subi %scan3A_74#4, %sub3A : i32
      %select_n3A_77 = arith.constant true
      %select_n3A_78 = arith.select %select_n3A_77, %sub3A_76, %scan3A_74#4 : i32
      %eq3A_79 = arith.constant -1 : i32
      %eq3A_80 = arith.cmpi eq, %select_n3A_78, %eq3A_79 : i32
      %select_n3A_81 = arith.constant 99 : i32
      %select_n3A_82 = arith.select %eq3A_80, %select_n3A_81, %select_n3A_78 : i32
      %add3A_83 = arith.addi %select_n3A_82, %mul3A_12 : i32
      %sub3A_84 = arith.constant 1 : i32
      %sub3A_85 = arith.subi %select_n3A_82, %sub3A_84 : i32
      %select_n3A_86 = arith.constant true
      %select_n3A_87 = arith.select %select_n3A_86, %sub3A_85, %select_n3A_82 : i32
      %eq3A_88 = arith.constant -1 : i32
      %eq3A_89 = arith.cmpi eq, %select_n3A_87, %eq3A_88 : i32
      %select_n3A_90 = arith.constant 99 : i32
      %select_n3A_91 = arith.select %eq3A_89, %select_n3A_90, %select_n3A_87 : i32
      %add3A_92 = arith.addi %select_n3A_91, %mul3A_12 : i32
      %add3A_93 = arith.constant 1 : i32
      %add3A_94 = arith.addi %select_n3A_82, %add3A_93 : i32
      %select_n3A_95 = arith.constant true
      %select_n3A_96 = arith.select %select_n3A_95, %add3A_94, %select_n3A_82 : i32
      %eq3A_97 = arith.constant 100 : i32
      %eq3A_98 = arith.cmpi eq, %select_n3A_96, %eq3A_97 : i32
      %select_n3A_99 = arith.constant 0 : i32
      %select_n3A_100 = arith.select %eq3A_98, %select_n3A_99, %select_n3A_96 : i32
      %add3A_101 = arith.addi %select_n3A_100, %mul3A_12 : i32
      %add3A_102 = arith.constant 1 : i32
      %add3A_103 = arith.addi %select_n3A_100, %add3A_102 : i32
      %select_n3A_104 = arith.constant true
      %select_n3A_105 = arith.select %select_n3A_104, %add3A_103, %select_n3A_100 : i32
      %eq3A_106 = arith.constant 100 : i32
      %eq3A_107 = arith.cmpi eq, %select_n3A_105, %eq3A_106 : i32
      %select_n3A_108 = arith.constant 0 : i32
      %select_n3A_109 = arith.select %eq3A_107, %select_n3A_108, %select_n3A_105 : i32
      %add3A_110 = arith.addi %select_n3A_109, %mul3A_12 : i32
      "tpu.trace_start"() <{level = 10 : i32, message = "ep_finalize"}> : () -> ()
      %rem3A_111 = arith.constant 2 : i32
      %rem3A_112 = arith.remui %scan3A_74#3, %rem3A_111 : i32
      %mul3A_113 = arith.constant 256 : i32
      %mul3A_114 = arith.muli %mul3A_113, %add3A_83 : i32
      %dma_wait3A = arith.constant 0 : i32
      %dma_wait3A_115 = arith.constant 0 : i32
      %dma_wait3A_116 = tpu.memref_slice %run_scoped3A_14[%rem3A_112, %dma_wait3A, %dma_wait3A_115] : memref<2x256x128xf32, #tpu.memory_space<vmem>> -> memref<1x256x128xf32, #tpu.memory_space<vmem>>
      %dma_wait3A_117 = tpu.memref_squeeze %dma_wait3A_116 : memref<1x256x128xf32, #tpu.memory_space<vmem>> -> memref<256x128xf32, #tpu.memory_space<vmem>>
      %dma_wait3A_118 = arith.constant 0 : i32
      %dma_wait3A_119 = tpu.memref_slice %arg4[%mul3A_114, %dma_wait3A_118] : memref<819200x128xf32, #tpu.memory_space<hbm>> -> memref<256x128xf32, #tpu.memory_space<hbm>>
      %dma_wait3A_120 = tpu.memref_slice %run_scoped3A_15[%rem3A_112] : memref<2x!tpu.dma_semaphore, #tpu.memory_space<semaphore_mem>> -> memref<1x!tpu.dma_semaphore, #tpu.memory_space<semaphore_mem>>
      %dma_wait3A_121 = tpu.memref_squeeze %dma_wait3A_120 : memref<1x!tpu.dma_semaphore, #tpu.memory_space<semaphore_mem>> -> memref<!tpu.dma_semaphore, #tpu.memory_space<semaphore_mem>>
      %dma_wait3A_122 = arith.constant 0 : i32
      %dma_wait3A_123 = tpu.memref_slice %arg4[%mul3A_114, %dma_wait3A_122] : memref<819200x128xf32, #tpu.memory_space<hbm>> -> memref<256x128xf32, #tpu.memory_space<hbm>>
      %dma_wait3A_124 = arith.constant 0 : i32
      %dma_wait3A_125 = arith.constant 0 : i32
      %dma_wait3A_126 = tpu.memref_slice %run_scoped3A_14[%rem3A_112, %dma_wait3A_124, %dma_wait3A_125] : memref<2x256x128xf32, #tpu.memory_space<vmem>> -> memref<1x256x128xf32, #tpu.memory_space<vmem>>
      %dma_wait3A_127 = tpu.memref_squeeze %dma_wait3A_126 : memref<1x256x128xf32, #tpu.memory_space<vmem>> -> memref<256x128xf32, #tpu.memory_space<vmem>>
      tpu.wait_dma2 semaphore(%dma_wait3A_121 : memref<!tpu.dma_semaphore, #tpu.memory_space<semaphore_mem>>) src(%dma_wait3A_127 : memref<256x128xf32, #tpu.memory_space<vmem>>) dst(%dma_wait3A_123 : memref<256x128xf32, #tpu.memory_space<hbm>>)
      "tpu.trace_stop"() : () -> ()
      tpu.yield
    }) : () -> ()
    return
  }
}

module attributes {stable_mosaic.version = 14 : i64} {
  func.func @_prep_body(%arg0: memref<200x128xf32, #tpu.memory_space<vmem>>, %arg1: memref<5x128xf32, #tpu.memory_space<vmem>>, %arg2: memref<5x128xf32, #tpu.memory_space<vmem>>, %arg3: memref<1x128xf32, #tpu.memory_space<vmem>>, %arg4: memref<1x128xf32, #tpu.memory_space<vmem>>, %arg5: memref<200x4096xi32, #tpu.memory_space<vmem>>, %arg6: memref<200x4096xi32, #tpu.memory_space<vmem>>, %arg7: memref<25x200x128xf32, #tpu.memory_space<vmem>>, %arg8: memref<200x4096xi32, #tpu.memory_space<vmem>>) attributes {dimension_semantics = [], scalar_prefetch = 0 : i64, scratch_operands = 0 : i64, tpu.core_type = #tpu.core_type<tc>} {
    %get3A = arith.constant 0 : index
    %get3A_0 = arith.constant 0 : index
    %get3A_1 = vector.load %arg3[%get3A, %get3A_0] : memref<1x128xf32, #tpu.memory_space<vmem>>, vector<1x128xf32>
    %get3A_2 = arith.constant 0 : index
    %get3A_3 = arith.constant 0 : index
    %get3A_4 = vector.load %arg4[%get3A_2, %get3A_3] : memref<1x128xf32, #tpu.memory_space<vmem>>, vector<1x128xf32>
    %get3A_5 = arith.constant 0 : index
    %get3A_6 = arith.constant 0 : index
    %get3A_7 = vector.load %arg0[%get3A_5, %get3A_6] : memref<200x128xf32, #tpu.memory_space<vmem>>, vector<200x128xf32>
    %mul3A = arith.constant 2.000000e+00 : f32
    %mul3A_8 = vector.broadcast %mul3A : f32 to vector<200x128xf32>
    %mul3A_9 = arith.mulf %mul3A_8, %get3A_7 : vector<200x128xf32>
    %get3A_10 = arith.constant 0 : index
    %get3A_11 = arith.constant 0 : index
    %get3A_12 = vector.load %arg1[%get3A_10, %get3A_11] : memref<5x128xf32, #tpu.memory_space<vmem>>, vector<1x128xf32>
    %get3A_13 = arith.constant 0 : index
    %get3A_14 = arith.constant 0 : index
    %get3A_15 = vector.load %arg2[%get3A_13, %get3A_14] : memref<5x128xf32, #tpu.memory_space<vmem>>, vector<1x128xf32>
    %add3A = arith.addf %get3A_12, %get3A_15 : vector<1x128xf32>
    %mul3A_16 = arith.constant 11.3137083 : f32
    %mul3A_17 = vector.broadcast %mul3A_16 : f32 to vector<1x128xf32>
    %mul3A_18 = arith.mulf %mul3A_17, %add3A : vector<1x128xf32>
    %add3A_19 = vector.broadcast %mul3A_18 : vector<1x128xf32> to vector<200x128xf32>
    %add3A_20 = arith.addf %mul3A_9, %add3A_19 : vector<200x128xf32>
    %reduce_sum3A = arith.constant dense<0.000000e+00> : vector<200xf32>
    %reduce_sum3A_21 = vector.multi_reduction <add>, %add3A_20, %reduce_sum3A [1] : vector<200x128xf32> to vector<200xf32>
    %broadcast_in_dim3A = vector.shape_cast %reduce_sum3A_21 : vector<200xf32> to vector<200x1xf32>
    %div3A = arith.constant 1.280000e+02 : f32
    %div3A_22 = vector.broadcast %div3A : f32 to vector<200x1xf32>
    %div3A_23 = arith.divf %broadcast_in_dim3A, %div3A_22 : vector<200x1xf32>
    %sub3A = vector.broadcast %div3A_23 : vector<200x1xf32> to vector<200x128xf32>
    %sub3A_24 = arith.subf %add3A_20, %sub3A : vector<200x128xf32>
    %integer_pow3A = arith.mulf %sub3A_24, %sub3A_24 : vector<200x128xf32>
    %reduce_sum3A_25 = arith.constant dense<0.000000e+00> : vector<200xf32>
    %reduce_sum3A_26 = vector.multi_reduction <add>, %integer_pow3A, %reduce_sum3A_25 [1] : vector<200x128xf32> to vector<200xf32>
    %broadcast_in_dim3A_27 = vector.shape_cast %reduce_sum3A_26 : vector<200xf32> to vector<200x1xf32>
    %div3A_28 = arith.constant 1.280000e+02 : f32
    %div3A_29 = vector.broadcast %div3A_28 : f32 to vector<200x1xf32>
    %div3A_30 = arith.divf %broadcast_in_dim3A_27, %div3A_29 : vector<200x1xf32>
    %sub3A_31 = vector.broadcast %div3A_23 : vector<200x1xf32> to vector<200x128xf32>
    %sub3A_32 = arith.subf %add3A_20, %sub3A_31 : vector<200x128xf32>
    %add3A_33 = arith.constant 9.99999974E-6 : f32
    %add3A_34 = vector.broadcast %add3A_33 : f32 to vector<200x1xf32>
    %add3A_35 = arith.addf %div3A_30, %add3A_34 : vector<200x1xf32>
    %rsqrt3A = math.rsqrt %add3A_35 : vector<200x1xf32>
    %mul3A_36 = vector.broadcast %rsqrt3A : vector<200x1xf32> to vector<200x128xf32>
    %mul3A_37 = arith.mulf %sub3A_32, %mul3A_36 : vector<200x128xf32>
    %mul3A_38 = vector.broadcast %get3A_1 : vector<1x128xf32> to vector<200x128xf32>
    %mul3A_39 = arith.mulf %mul3A_37, %mul3A_38 : vector<200x128xf32>
    %add3A_40 = vector.broadcast %get3A_4 : vector<1x128xf32> to vector<200x128xf32>
    %add3A_41 = arith.addf %mul3A_39, %add3A_40 : vector<200x128xf32>
    %swap3A = arith.constant 0 : index
    %swap3A_42 = arith.constant 0 : index
    %swap3A_43 = arith.constant 0 : index
    %swap3A_44 = vector.load %arg7[%swap3A, %swap3A_42, %swap3A_43] : memref<25x200x128xf32, #tpu.memory_space<vmem>>, vector<1x200x128xf32>
    %swap3A_45 = vector.shape_cast %swap3A_44 : vector<1x200x128xf32> to vector<200x128xf32>
    %swap3A_46 = vector.shape_cast %add3A_41 : vector<200x128xf32> to vector<1x200x128xf32>
    tpu.vector_store %arg7[%swap3A, %swap3A_42, %swap3A_43], %swap3A_46 {strides = array<i32>} : memref<25x200x128xf32, #tpu.memory_space<vmem>>, vector<1x200x128xf32>,
    %get3A_47 = arith.constant 0 : index
    %get3A_48 = arith.constant 0 : index
    %get3A_49 = vector.load %arg1[%get3A_47, %get3A_48] : memref<5x128xf32, #tpu.memory_space<vmem>>, vector<1x128xf32>
    %get3A_50 = arith.constant 1 : index
    %get3A_51 = arith.constant 0 : index
    %get3A_52 = vector.load %arg2[%get3A_50, %get3A_51] : memref<5x128xf32, #tpu.memory_space<vmem>>, vector<1x128xf32>
    %add3A_53 = arith.addf %get3A_49, %get3A_52 : vector<1x128xf32>
    %mul3A_54 = arith.constant 11.3137083 : f32
    %mul3A_55 = vector.broadcast %mul3A_54 : f32 to vector<1x128xf32>
    %mul3A_56 = arith.mulf %mul3A_55, %add3A_53 : vector<1x128xf32>
    %add3A_57 = vector.broadcast %mul3A_56 : vector<1x128xf32> to vector<200x128xf32>
    %add3A_58 = arith.addf %mul3A_9, %add3A_57 : vector<200x128xf32>
    %reduce_sum3A_59 = arith.constant dense<0.000000e+00> : vector<200xf32>
    %reduce_sum3A_60 = vector.multi_reduction <add>, %add3A_58, %reduce_sum3A_59 [1] : vector<200x128xf32> to vector<200xf32>
    %broadcast_in_dim3A_61 = vector.shape_cast %reduce_sum3A_60 : vector<200xf32> to vector<200x1xf32>
    %div3A_62 = arith.constant 1.280000e+02 : f32
    %div3A_63 = vector.broadcast %div3A_62 : f32 to vector<200x1xf32>
    %div3A_64 = arith.divf %broadcast_in_dim3A_61, %div3A_63 : vector<200x1xf32>
    %sub3A_65 = vector.broadcast %div3A_64 : vector<200x1xf32> to vector<200x128xf32>
    %sub3A_66 = arith.subf %add3A_58, %sub3A_65 : vector<200x128xf32>
    %integer_pow3A_67 = arith.mulf %sub3A_66, %sub3A_66 : vector<200x128xf32>
    %reduce_sum3A_68 = arith.constant dense<0.000000e+00> : vector<200xf32>
    %reduce_sum3A_69 = vector.multi_reduction <add>, %integer_pow3A_67, %reduce_sum3A_68 [1] : vector<200x128xf32> to vector<200xf32>
    %broadcast_in_dim3A_70 = vector.shape_cast %reduce_sum3A_69 : vector<200xf32> to vector<200x1xf32>
    %div3A_71 = arith.constant 1.280000e+02 : f32
    %div3A_72 = vector.broadcast %div3A_71 : f32 to vector<200x1xf32>
    %div3A_73 = arith.divf %broadcast_in_dim3A_70, %div3A_72 : vector<200x1xf32>
    %sub3A_74 = vector.broadcast %div3A_64 : vector<200x1xf32> to vector<200x128xf32>
    %sub3A_75 = arith.subf %add3A_58, %sub3A_74 : vector<200x128xf32>
    %add3A_76 = arith.constant 9.99999974E-6 : f32
    %add3A_77 = vector.broadcast %add3A_76 : f32 to vector<200x1xf32>
    %add3A_78 = arith.addf %div3A_73, %add3A_77 : vector<200x1xf32>
    %rsqrt3A_79 = math.rsqrt %add3A_78 : vector<200x1xf32>
    %mul3A_80 = vector.broadcast %rsqrt3A_79 : vector<200x1xf32> to vector<200x128xf32>
    %mul3A_81 = arith.mulf %sub3A_75, %mul3A_80 : vector<200x128xf32>
    %mul3A_82 = vector.broadcast %get3A_1 : vector<1x128xf32> to vector<200x128xf32>
    %mul3A_83 = arith.mulf %mul3A_81, %mul3A_82 : vector<200x128xf32>
    %add3A_84 = vector.broadcast %get3A_4 : vector<1x128xf32> to vector<200x128xf32>
    %add3A_85 = arith.addf %mul3A_83, %add3A_84 : vector<200x128xf32>
    %swap3A_86 = arith.constant 1 : index
    %swap3A_87 = arith.constant 0 : index
    %swap3A_88 = arith.constant 0 : index
    %swap3A_89 = vector.load %arg7[%swap3A_86, %swap3A_87, %swap3A_88] : memref<25x200x128xf32, #tpu.memory_space<vmem>>, vector<1x200x128xf32>
    %swap3A_90 = vector.shape_cast %swap3A_89 : vector<1x200x128xf32> to vector<200x128xf32>
    %swap3A_91 = vector.shape_cast %add3A_85 : vector<200x128xf32> to vector<1x200x128xf32>
    tpu.vector_store %arg7[%swap3A_86, %swap3A_87, %swap3A_88], %swap3A_91 {strides = array<i32>} : memref<25x200x128xf32, #tpu.memory_space<vmem>>, vector<1x200x128xf32>,
    %get3A_92 = arith.constant 0 : index
    %get3A_93 = arith.constant 0 : index
    %get3A_94 = vector.load %arg1[%get3A_92, %get3A_93] : memref<5x128xf32, #tpu.memory_space<vmem>>, vector<1x128xf32>
    %get3A_95 = arith.constant 2 : index
    %get3A_96 = arith.constant 0 : index
    %get3A_97 = vector.load %arg2[%get3A_95, %get3A_96] : memref<5x128xf32, #tpu.memory_space<vmem>>, vector<1x128xf32>
    %add3A_98 = arith.addf %get3A_94, %get3A_97 : vector<1x128xf32>
    %mul3A_99 = arith.constant 11.3137083 : f32
    %mul3A_100 = vector.broadcast %mul3A_99 : f32 to vector<1x128xf32>
    %mul3A_101 = arith.mulf %mul3A_100, %add3A_98 : vector<1x128xf32>
    %add3A_102 = vector.broadcast %mul3A_101 : vector<1x128xf32> to vector<200x128xf32>
    %add3A_103 = arith.addf %mul3A_9, %add3A_102 : vector<200x128xf32>
    %reduce_sum3A_104 = arith.constant dense<0.000000e+00> : vector<200xf32>
    %reduce_sum3A_105 = vector.multi_reduction <add>, %add3A_103, %reduce_sum3A_104 [1] : vector<200x128xf32> to vector<200xf32>
    %broadcast_in_dim3A_106 = vector.shape_cast %reduce_sum3A_105 : vector<200xf32> to vector<200x1xf32>
    %div3A_107 = arith.constant 1.280000e+02 : f32
    %div3A_108 = vector.broadcast %div3A_107 : f32 to vector<200x1xf32>
    %div3A_109 = arith.divf %broadcast_in_dim3A_106, %div3A_108 : vector<200x1xf32>
    %sub3A_110 = vector.broadcast %div3A_109 : vector<200x1xf32> to vector<200x128xf32>
    %sub3A_111 = arith.subf %add3A_103, %sub3A_110 : vector<200x128xf32>
    %integer_pow3A_112 = arith.mulf %sub3A_111, %sub3A_111 : vector<200x128xf32>
    %reduce_sum3A_113 = arith.constant dense<0.000000e+00> : vector<200xf32>
    %reduce_sum3A_114 = vector.multi_reduction <add>, %integer_pow3A_112, %reduce_sum3A_113 [1] : vector<200x128xf32> to vector<200xf32>
    %broadcast_in_dim3A_115 = vector.shape_cast %reduce_sum3A_114 : vector<200xf32> to vector<200x1xf32>
    %div3A_116 = arith.constant 1.280000e+02 : f32
    %div3A_117 = vector.broadcast %div3A_116 : f32 to vector<200x1xf32>
    %div3A_118 = arith.divf %broadcast_in_dim3A_115, %div3A_117 : vector<200x1xf32>
    %sub3A_119 = vector.broadcast %div3A_109 : vector<200x1xf32> to vector<200x128xf32>
    %sub3A_120 = arith.subf %add3A_103, %sub3A_119 : vector<200x128xf32>
    %add3A_121 = arith.constant 9.99999974E-6 : f32
    %add3A_122 = vector.broadcast %add3A_121 : f32 to vector<200x1xf32>
    %add3A_123 = arith.addf %div3A_118, %add3A_122 : vector<200x1xf32>
    %rsqrt3A_124 = math.rsqrt %add3A_123 : vector<200x1xf32>
    %mul3A_125 = vector.broadcast %rsqrt3A_124 : vector<200x1xf32> to vector<200x128xf32>
    %mul3A_126 = arith.mulf %sub3A_120, %mul3A_125 : vector<200x128xf32>
    %mul3A_127 = vector.broadcast %get3A_1 : vector<1x128xf32> to vector<200x128xf32>
    %mul3A_128 = arith.mulf %mul3A_126, %mul3A_127 : vector<200x128xf32>
    %add3A_129 = vector.broadcast %get3A_4 : vector<1x128xf32> to vector<200x128xf32>
    %add3A_130 = arith.addf %mul3A_128, %add3A_129 : vector<200x128xf32>
    %swap3A_131 = arith.constant 2 : index
    %swap3A_132 = arith.constant 0 : index
    %swap3A_133 = arith.constant 0 : index
    %swap3A_134 = vector.load %arg7[%swap3A_131, %swap3A_132, %swap3A_133] : memref<25x200x128xf32, #tpu.memory_space<vmem>>, vector<1x200x128xf32>
    %swap3A_135 = vector.shape_cast %swap3A_134 : vector<1x200x128xf32> to vector<200x128xf32>
    %swap3A_136 = vector.shape_cast %add3A_130 : vector<200x128xf32> to vector<1x200x128xf32>
    tpu.vector_store %arg7[%swap3A_131, %swap3A_132, %swap3A_133], %swap3A_136 {strides = array<i32>} : memref<25x200x128xf32, #tpu.memory_space<vmem>>, vector<1x200x128xf32>,
    %get3A_137 = arith.constant 0 : index
    %get3A_138 = arith.constant 0 : index
    %get3A_139 = vector.load %arg1[%get3A_137, %get3A_138] : memref<5x128xf32, #tpu.memory_space<vmem>>, vector<1x128xf32>
    %get3A_140 = arith.constant 3 : index
    %get3A_141 = arith.constant 0 : index
    %get3A_142 = vector.load %arg2[%get3A_140, %get3A_141] : memref<5x128xf32, #tpu.memory_space<vmem>>, vector<1x128xf32>
    %add3A_143 = arith.addf %get3A_139, %get3A_142 : vector<1x128xf32>
    %mul3A_144 = arith.constant 11.3137083 : f32
    %mul3A_145 = vector.broadcast %mul3A_144 : f32 to vector<1x128xf32>
    %mul3A_146 = arith.mulf %mul3A_145, %add3A_143 : vector<1x128xf32>
    %add3A_147 = vector.broadcast %mul3A_146 : vector<1x128xf32> to vector<200x128xf32>
    %add3A_148 = arith.addf %mul3A_9, %add3A_147 : vector<200x128xf32>
    %reduce_sum3A_149 = arith.constant dense<0.000000e+00> : vector<200xf32>
    %reduce_sum3A_150 = vector.multi_reduction <add>, %add3A_148, %reduce_sum3A_149 [1] : vector<200x128xf32> to vector<200xf32>
    %broadcast_in_dim3A_151 = vector.shape_cast %reduce_sum3A_150 : vector<200xf32> to vector<200x1xf32>
    %div3A_152 = arith.constant 1.280000e+02 : f32
    %div3A_153 = vector.broadcast %div3A_152 : f32 to vector<200x1xf32>
    %div3A_154 = arith.divf %broadcast_in_dim3A_151, %div3A_153 : vector<200x1xf32>
    %sub3A_155 = vector.broadcast %div3A_154 : vector<200x1xf32> to vector<200x128xf32>
    %sub3A_156 = arith.subf %add3A_148, %sub3A_155 : vector<200x128xf32>
    %integer_pow3A_157 = arith.mulf %sub3A_156, %sub3A_156 : vector<200x128xf32>
    %reduce_sum3A_158 = arith.constant dense<0.000000e+00> : vector<200xf32>
    %reduce_sum3A_159 = vector.multi_reduction <add>, %integer_pow3A_157, %reduce_sum3A_158 [1] : vector<200x128xf32> to vector<200xf32>
    %broadcast_in_dim3A_160 = vector.shape_cast %reduce_sum3A_159 : vector<200xf32> to vector<200x1xf32>
    %div3A_161 = arith.constant 1.280000e+02 : f32
    %div3A_162 = vector.broadcast %div3A_161 : f32 to vector<200x1xf32>
    %div3A_163 = arith.divf %broadcast_in_dim3A_160, %div3A_162 : vector<200x1xf32>
    %sub3A_164 = vector.broadcast %div3A_154 : vector<200x1xf32> to vector<200x128xf32>
    %sub3A_165 = arith.subf %add3A_148, %sub3A_164 : vector<200x128xf32>
    %add3A_166 = arith.constant 9.99999974E-6 : f32
    %add3A_167 = vector.broadcast %add3A_166 : f32 to vector<200x1xf32>
    %add3A_168 = arith.addf %div3A_163, %add3A_167 : vector<200x1xf32>
    %rsqrt3A_169 = math.rsqrt %add3A_168 : vector<200x1xf32>
    %mul3A_170 = vector.broadcast %rsqrt3A_169 : vector<200x1xf32> to vector<200x128xf32>
    %mul3A_171 = arith.mulf %sub3A_165, %mul3A_170 : vector<200x128xf32>
    %mul3A_172 = vector.broadcast %get3A_1 : vector<1x128xf32> to vector<200x128xf32>
    %mul3A_173 = arith.mulf %mul3A_171, %mul3A_172 : vector<200x128xf32>
    %add3A_174 = vector.broadcast %get3A_4 : vector<1x128xf32> to vector<200x128xf32>
    %add3A_175 = arith.addf %mul3A_173, %add3A_174 : vector<200x128xf32>
    %swap3A_176 = arith.constant 3 : index
    %swap3A_177 = arith.constant 0 : index
    %swap3A_178 = arith.constant 0 : index
    %swap3A_179 = vector.load %arg7[%swap3A_176, %swap3A_177, %swap3A_178] : memref<25x200x128xf32, #tpu.memory_space<vmem>>, vector<1x200x128xf32>
    %swap3A_180 = vector.shape_cast %swap3A_179 : vector<1x200x128xf32> to vector<200x128xf32>
    %swap3A_181 = vector.shape_cast %add3A_175 : vector<200x128xf32> to vector<1x200x128xf32>
    tpu.vector_store %arg7[%swap3A_176, %swap3A_177, %swap3A_178], %swap3A_181 {strides = array<i32>} : memref<25x200x128xf32, #tpu.memory_space<vmem>>, vector<1x200x128xf32>,
    %get3A_182 = arith.constant 0 : index
    %get3A_183 = arith.constant 0 : index
    %get3A_184 = vector.load %arg1[%get3A_182, %get3A_183] : memref<5x128xf32, #tpu.memory_space<vmem>>, vector<1x128xf32>
    %get3A_185 = arith.constant 4 : index
    %get3A_186 = arith.constant 0 : index
    %get3A_187 = vector.load %arg2[%get3A_185, %get3A_186] : memref<5x128xf32, #tpu.memory_space<vmem>>, vector<1x128xf32>
    %add3A_188 = arith.addf %get3A_184, %get3A_187 : vector<1x128xf32>
    %mul3A_189 = arith.constant 11.3137083 : f32
    %mul3A_190 = vector.broadcast %mul3A_189 : f32 to vector<1x128xf32>
    %mul3A_191 = arith.mulf %mul3A_190, %add3A_188 : vector<1x128xf32>
    %add3A_192 = vector.broadcast %mul3A_191 : vector<1x128xf32> to vector<200x128xf32>
    %add3A_193 = arith.addf %mul3A_9, %add3A_192 : vector<200x128xf32>
    %reduce_sum3A_194 = arith.constant dense<0.000000e+00> : vector<200xf32>
    %reduce_sum3A_195 = vector.multi_reduction <add>, %add3A_193, %reduce_sum3A_194 [1] : vector<200x128xf32> to vector<200xf32>
    %broadcast_in_dim3A_196 = vector.shape_cast %reduce_sum3A_195 : vector<200xf32> to vector<200x1xf32>
    %div3A_197 = arith.constant 1.280000e+02 : f32
    %div3A_198 = vector.broadcast %div3A_197 : f32 to vector<200x1xf32>
    %div3A_199 = arith.divf %broadcast_in_dim3A_196, %div3A_198 : vector<200x1xf32>
    %sub3A_200 = vector.broadcast %div3A_199 : vector<200x1xf32> to vector<200x128xf32>
    %sub3A_201 = arith.subf %add3A_193, %sub3A_200 : vector<200x128xf32>
    %integer_pow3A_202 = arith.mulf %sub3A_201, %sub3A_201 : vector<200x128xf32>
    %reduce_sum3A_203 = arith.constant dense<0.000000e+00> : vector<200xf32>
    %reduce_sum3A_204 = vector.multi_reduction <add>, %integer_pow3A_202, %reduce_sum3A_203 [1] : vector<200x128xf32> to vector<200xf32>
    %broadcast_in_dim3A_205 = vector.shape_cast %reduce_sum3A_204 : vector<200xf32> to vector<200x1xf32>
    %div3A_206 = arith.constant 1.280000e+02 : f32
    %div3A_207 = vector.broadcast %div3A_206 : f32 to vector<200x1xf32>
    %div3A_208 = arith.divf %broadcast_in_dim3A_205, %div3A_207 : vector<200x1xf32>
    %sub3A_209 = vector.broadcast %div3A_199 : vector<200x1xf32> to vector<200x128xf32>
    %sub3A_210 = arith.subf %add3A_193, %sub3A_209 : vector<200x128xf32>
    %add3A_211 = arith.constant 9.99999974E-6 : f32
    %add3A_212 = vector.broadcast %add3A_211 : f32 to vector<200x1xf32>
    %add3A_213 = arith.addf %div3A_208, %add3A_212 : vector<200x1xf32>
    %rsqrt3A_214 = math.rsqrt %add3A_213 : vector<200x1xf32>
    %mul3A_215 = vector.broadcast %rsqrt3A_214 : vector<200x1xf32> to vector<200x128xf32>
    %mul3A_216 = arith.mulf %sub3A_210, %mul3A_215 : vector<200x128xf32>
    %mul3A_217 = vector.broadcast %get3A_1 : vector<1x128xf32> to vector<200x128xf32>
    %mul3A_218 = arith.mulf %mul3A_216, %mul3A_217 : vector<200x128xf32>
    %add3A_219 = vector.broadcast %get3A_4 : vector<1x128xf32> to vector<200x128xf32>
    %add3A_220 = arith.addf %mul3A_218, %add3A_219 : vector<200x128xf32>
    %swap3A_221 = arith.constant 4 : index
    %swap3A_222 = arith.constant 0 : index
    %swap3A_223 = arith.constant 0 : index
    %swap3A_224 = vector.load %arg7[%swap3A_221, %swap3A_222, %swap3A_223] : memref<25x200x128xf32, #tpu.memory_space<vmem>>, vector<1x200x128xf32>
    %swap3A_225 = vector.shape_cast %swap3A_224 : vector<1x200x128xf32> to vector<200x128xf32>
    %swap3A_226 = vector.shape_cast %add3A_220 : vector<200x128xf32> to vector<1x200x128xf32>
    tpu.vector_store %arg7[%swap3A_221, %swap3A_222, %swap3A_223], %swap3A_226 {strides = array<i32>} : memref<25x200x128xf32, #tpu.memory_space<vmem>>, vector<1x200x128xf32>,
    %get3A_227 = arith.constant 1 : index
    %get3A_228 = arith.constant 0 : index
    %get3A_229 = vector.load %arg1[%get3A_227, %get3A_228] : memref<5x128xf32, #tpu.memory_space<vmem>>, vector<1x128xf32>
    %get3A_230 = arith.constant 0 : index
    %get3A_231 = arith.constant 0 : index
    %get3A_232 = vector.load %arg2[%get3A_230, %get3A_231] : memref<5x128xf32, #tpu.memory_space<vmem>>, vector<1x128xf32>
    %add3A_233 = arith.addf %get3A_229, %get3A_232 : vector<1x128xf32>
    %mul3A_234 = arith.constant 11.3137083 : f32
    %mul3A_235 = vector.broadcast %mul3A_234 : f32 to vector<1x128xf32>
    %mul3A_236 = arith.mulf %mul3A_235, %add3A_233 : vector<1x128xf32>
    %add3A_237 = vector.broadcast %mul3A_236 : vector<1x128xf32> to vector<200x128xf32>
    %add3A_238 = arith.addf %mul3A_9, %add3A_237 : vector<200x128xf32>
    %reduce_sum3A_239 = arith.constant dense<0.000000e+00> : vector<200xf32>
    %reduce_sum3A_240 = vector.multi_reduction <add>, %add3A_238, %reduce_sum3A_239 [1] : vector<200x128xf32> to vector<200xf32>
    %broadcast_in_dim3A_241 = vector.shape_cast %reduce_sum3A_240 : vector<200xf32> to vector<200x1xf32>
    %div3A_242 = arith.constant 1.280000e+02 : f32
    %div3A_243 = vector.broadcast %div3A_242 : f32 to vector<200x1xf32>
    %div3A_244 = arith.divf %broadcast_in_dim3A_241, %div3A_243 : vector<200x1xf32>
    %sub3A_245 = vector.broadcast %div3A_244 : vector<200x1xf32> to vector<200x128xf32>
    %sub3A_246 = arith.subf %add3A_238, %sub3A_245 : vector<200x128xf32>
    %integer_pow3A_247 = arith.mulf %sub3A_246, %sub3A_246 : vector<200x128xf32>
    %reduce_sum3A_248 = arith.constant dense<0.000000e+00> : vector<200xf32>
    %reduce_sum3A_249 = vector.multi_reduction <add>, %integer_pow3A_247, %reduce_sum3A_248 [1] : vector<200x128xf32> to vector<200xf32>
    %broadcast_in_dim3A_250 = vector.shape_cast %reduce_sum3A_249 : vector<200xf32> to vector<200x1xf32>
    %div3A_251 = arith.constant 1.280000e+02 : f32
    %div3A_252 = vector.broadcast %div3A_251 : f32 to vector<200x1xf32>
    %div3A_253 = arith.divf %broadcast_in_dim3A_250, %div3A_252 : vector<200x1xf32>
    %sub3A_254 = vector.broadcast %div3A_244 : vector<200x1xf32> to vector<200x128xf32>
    %sub3A_255 = arith.subf %add3A_238, %sub3A_254 : vector<200x128xf32>
    %add3A_256 = arith.constant 9.99999974E-6 : f32
    %add3A_257 = vector.broadcast %add3A_256 : f32 to vector<200x1xf32>
    %add3A_258 = arith.addf %div3A_253, %add3A_257 : vector<200x1xf32>
    %rsqrt3A_259 = math.rsqrt %add3A_258 : vector<200x1xf32>
    %mul3A_260 = vector.broadcast %rsqrt3A_259 : vector<200x1xf32> to vector<200x128xf32>
    %mul3A_261 = arith.mulf %sub3A_255, %mul3A_260 : vector<200x128xf32>
    %mul3A_262 = vector.broadcast %get3A_1 : vector<1x128xf32> to vector<200x128xf32>
    %mul3A_263 = arith.mulf %mul3A_261, %mul3A_262 : vector<200x128xf32>
    %add3A_264 = vector.broadcast %get3A_4 : vector<1x128xf32> to vector<200x128xf32>
    %add3A_265 = arith.addf %mul3A_263, %add3A_264 : vector<200x128xf32>
    %swap3A_266 = arith.constant 5 : index
    %swap3A_267 = arith.constant 0 : index
    %swap3A_268 = arith.constant 0 : index
    %swap3A_269 = vector.load %arg7[%swap3A_266, %swap3A_267, %swap3A_268] : memref<25x200x128xf32, #tpu.memory_space<vmem>>, vector<1x200x128xf32>
    %swap3A_270 = vector.shape_cast %swap3A_269 : vector<1x200x128xf32> to vector<200x128xf32>
    %swap3A_271 = vector.shape_cast %add3A_265 : vector<200x128xf32> to vector<1x200x128xf32>
    tpu.vector_store %arg7[%swap3A_266, %swap3A_267, %swap3A_268], %swap3A_271 {strides = array<i32>} : memref<25x200x128xf32, #tpu.memory_space<vmem>>, vector<1x200x128xf32>,
    %get3A_272 = arith.constant 1 : index
    %get3A_273 = arith.constant 0 : index
    %get3A_274 = vector.load %arg1[%get3A_272, %get3A_273] : memref<5x128xf32, #tpu.memory_space<vmem>>, vector<1x128xf32>
    %get3A_275 = arith.constant 1 : index
    %get3A_276 = arith.constant 0 : index
    %get3A_277 = vector.load %arg2[%get3A_275, %get3A_276] : memref<5x128xf32, #tpu.memory_space<vmem>>, vector<1x128xf32>
    %add3A_278 = arith.addf %get3A_274, %get3A_277 : vector<1x128xf32>
    %mul3A_279 = arith.constant 11.3137083 : f32
    %mul3A_280 = vector.broadcast %mul3A_279 : f32 to vector<1x128xf32>
    %mul3A_281 = arith.mulf %mul3A_280, %add3A_278 : vector<1x128xf32>
    %add3A_282 = vector.broadcast %mul3A_281 : vector<1x128xf32> to vector<200x128xf32>
    %add3A_283 = arith.addf %mul3A_9, %add3A_282 : vector<200x128xf32>
    %reduce_sum3A_284 = arith.constant dense<0.000000e+00> : vector<200xf32>
    %reduce_sum3A_285 = vector.multi_reduction <add>, %add3A_283, %reduce_sum3A_284 [1] : vector<200x128xf32> to vector<200xf32>
    %broadcast_in_dim3A_286 = vector.shape_cast %reduce_sum3A_285 : vector<200xf32> to vector<200x1xf32>
    %div3A_287 = arith.constant 1.280000e+02 : f32
    %div3A_288 = vector.broadcast %div3A_287 : f32 to vector<200x1xf32>
    %div3A_289 = arith.divf %broadcast_in_dim3A_286, %div3A_288 : vector<200x1xf32>
    %sub3A_290 = vector.broadcast %div3A_289 : vector<200x1xf32> to vector<200x128xf32>
    %sub3A_291 = arith.subf %add3A_283, %sub3A_290 : vector<200x128xf32>
    %integer_pow3A_292 = arith.mulf %sub3A_291, %sub3A_291 : vector<200x128xf32>
    %reduce_sum3A_293 = arith.constant dense<0.000000e+00> : vector<200xf32>
    %reduce_sum3A_294 = vector.multi_reduction <add>, %integer_pow3A_292, %reduce_sum3A_293 [1] : vector<200x128xf32> to vector<200xf32>
    %broadcast_in_dim3A_295 = vector.shape_cast %reduce_sum3A_294 : vector<200xf32> to vector<200x1xf32>
    %div3A_296 = arith.constant 1.280000e+02 : f32
    %div3A_297 = vector.broadcast %div3A_296 : f32 to vector<200x1xf32>
    %div3A_298 = arith.divf %broadcast_in_dim3A_295, %div3A_297 : vector<200x1xf32>
    %sub3A_299 = vector.broadcast %div3A_289 : vector<200x1xf32> to vector<200x128xf32>
    %sub3A_300 = arith.subf %add3A_283, %sub3A_299 : vector<200x128xf32>
    %add3A_301 = arith.constant 9.99999974E-6 : f32
    %add3A_302 = vector.broadcast %add3A_301 : f32 to vector<200x1xf32>
    %add3A_303 = arith.addf %div3A_298, %add3A_302 : vector<200x1xf32>
    %rsqrt3A_304 = math.rsqrt %add3A_303 : vector<200x1xf32>
    %mul3A_305 = vector.broadcast %rsqrt3A_304 : vector<200x1xf32> to vector<200x128xf32>
    %mul3A_306 = arith.mulf %sub3A_300, %mul3A_305 : vector<200x128xf32>
    %mul3A_307 = vector.broadcast %get3A_1 : vector<1x128xf32> to vector<200x128xf32>
    %mul3A_308 = arith.mulf %mul3A_306, %mul3A_307 : vector<200x128xf32>
    %add3A_309 = vector.broadcast %get3A_4 : vector<1x128xf32> to vector<200x128xf32>
    %add3A_310 = arith.addf %mul3A_308, %add3A_309 : vector<200x128xf32>
    %swap3A_311 = arith.constant 6 : index
    %swap3A_312 = arith.constant 0 : index
    %swap3A_313 = arith.constant 0 : index
    %swap3A_314 = vector.load %arg7[%swap3A_311, %swap3A_312, %swap3A_313] : memref<25x200x128xf32, #tpu.memory_space<vmem>>, vector<1x200x128xf32>
    %swap3A_315 = vector.shape_cast %swap3A_314 : vector<1x200x128xf32> to vector<200x128xf32>
    %swap3A_316 = vector.shape_cast %add3A_310 : vector<200x128xf32> to vector<1x200x128xf32>
    tpu.vector_store %arg7[%swap3A_311, %swap3A_312, %swap3A_313], %swap3A_316 {strides = array<i32>} : memref<25x200x128xf32, #tpu.memory_space<vmem>>, vector<1x200x128xf32>,
    %get3A_317 = arith.constant 1 : index
    %get3A_318 = arith.constant 0 : index
    %get3A_319 = vector.load %arg1[%get3A_317, %get3A_318] : memref<5x128xf32, #tpu.memory_space<vmem>>, vector<1x128xf32>
    %get3A_320 = arith.constant 2 : index
    %get3A_321 = arith.constant 0 : index
    %get3A_322 = vector.load %arg2[%get3A_320, %get3A_321] : memref<5x128xf32, #tpu.memory_space<vmem>>, vector<1x128xf32>
    %add3A_323 = arith.addf %get3A_319, %get3A_322 : vector<1x128xf32>
    %mul3A_324 = arith.constant 11.3137083 : f32
    %mul3A_325 = vector.broadcast %mul3A_324 : f32 to vector<1x128xf32>
    %mul3A_326 = arith.mulf %mul3A_325, %add3A_323 : vector<1x128xf32>
    %add3A_327 = vector.broadcast %mul3A_326 : vector<1x128xf32> to vector<200x128xf32>
    %add3A_328 = arith.addf %mul3A_9, %add3A_327 : vector<200x128xf32>
    %reduce_sum3A_329 = arith.constant dense<0.000000e+00> : vector<200xf32>
    %reduce_sum3A_330 = vector.multi_reduction <add>, %add3A_328, %reduce_sum3A_329 [1] : vector<200x128xf32> to vector<200xf32>
    %broadcast_in_dim3A_331 = vector.shape_cast %reduce_sum3A_330 : vector<200xf32> to vector<200x1xf32>
    %div3A_332 = arith.constant 1.280000e+02 : f32
    %div3A_333 = vector.broadcast %div3A_332 : f32 to vector<200x1xf32>
    %div3A_334 = arith.divf %broadcast_in_dim3A_331, %div3A_333 : vector<200x1xf32>
    %sub3A_335 = vector.broadcast %div3A_334 : vector<200x1xf32> to vector<200x128xf32>
    %sub3A_336 = arith.subf %add3A_328, %sub3A_335 : vector<200x128xf32>
    %integer_pow3A_337 = arith.mulf %sub3A_336, %sub3A_336 : vector<200x128xf32>
    %reduce_sum3A_338 = arith.constant dense<0.000000e+00> : vector<200xf32>
    %reduce_sum3A_339 = vector.multi_reduction <add>, %integer_pow3A_337, %reduce_sum3A_338 [1] : vector<200x128xf32> to vector<200xf32>
    %broadcast_in_dim3A_340 = vector.shape_cast %reduce_sum3A_339 : vector<200xf32> to vector<200x1xf32>
    %div3A_341 = arith.constant 1.280000e+02 : f32
    %div3A_342 = vector.broadcast %div3A_341 : f32 to vector<200x1xf32>
    %div3A_343 = arith.divf %broadcast_in_dim3A_340, %div3A_342 : vector<200x1xf32>
    %sub3A_344 = vector.broadcast %div3A_334 : vector<200x1xf32> to vector<200x128xf32>
    %sub3A_345 = arith.subf %add3A_328, %sub3A_344 : vector<200x128xf32>
    %add3A_346 = arith.constant 9.99999974E-6 : f32
    %add3A_347 = vector.broadcast %add3A_346 : f32 to vector<200x1xf32>
    %add3A_348 = arith.addf %div3A_343, %add3A_347 : vector<200x1xf32>
    %rsqrt3A_349 = math.rsqrt %add3A_348 : vector<200x1xf32>
    %mul3A_350 = vector.broadcast %rsqrt3A_349 : vector<200x1xf32> to vector<200x128xf32>
    %mul3A_351 = arith.mulf %sub3A_345, %mul3A_350 : vector<200x128xf32>
    %mul3A_352 = vector.broadcast %get3A_1 : vector<1x128xf32> to vector<200x128xf32>
    %mul3A_353 = arith.mulf %mul3A_351, %mul3A_352 : vector<200x128xf32>
    %add3A_354 = vector.broadcast %get3A_4 : vector<1x128xf32> to vector<200x128xf32>
    %add3A_355 = arith.addf %mul3A_353, %add3A_354 : vector<200x128xf32>
    %swap3A_356 = arith.constant 7 : index
    %swap3A_357 = arith.constant 0 : index
    %swap3A_358 = arith.constant 0 : index
    %swap3A_359 = vector.load %arg7[%swap3A_356, %swap3A_357, %swap3A_358] : memref<25x200x128xf32, #tpu.memory_space<vmem>>, vector<1x200x128xf32>
    %swap3A_360 = vector.shape_cast %swap3A_359 : vector<1x200x128xf32> to vector<200x128xf32>
    %swap3A_361 = vector.shape_cast %add3A_355 : vector<200x128xf32> to vector<1x200x128xf32>
    tpu.vector_store %arg7[%swap3A_356, %swap3A_357, %swap3A_358], %swap3A_361 {strides = array<i32>} : memref<25x200x128xf32, #tpu.memory_space<vmem>>, vector<1x200x128xf32>,
    %get3A_362 = arith.constant 1 : index
    %get3A_363 = arith.constant 0 : index
    %get3A_364 = vector.load %arg1[%get3A_362, %get3A_363] : memref<5x128xf32, #tpu.memory_space<vmem>>, vector<1x128xf32>
    %get3A_365 = arith.constant 3 : index
    %get3A_366 = arith.constant 0 : index
    %get3A_367 = vector.load %arg2[%get3A_365, %get3A_366] : memref<5x128xf32, #tpu.memory_space<vmem>>, vector<1x128xf32>
    %add3A_368 = arith.addf %get3A_364, %get3A_367 : vector<1x128xf32>
    %mul3A_369 = arith.constant 11.3137083 : f32
    %mul3A_370 = vector.broadcast %mul3A_369 : f32 to vector<1x128xf32>
    %mul3A_371 = arith.mulf %mul3A_370, %add3A_368 : vector<1x128xf32>
    %add3A_372 = vector.broadcast %mul3A_371 : vector<1x128xf32> to vector<200x128xf32>
    %add3A_373 = arith.addf %mul3A_9, %add3A_372 : vector<200x128xf32>
    %reduce_sum3A_374 = arith.constant dense<0.000000e+00> : vector<200xf32>
    %reduce_sum3A_375 = vector.multi_reduction <add>, %add3A_373, %reduce_sum3A_374 [1] : vector<200x128xf32> to vector<200xf32>
    %broadcast_in_dim3A_376 = vector.shape_cast %reduce_sum3A_375 : vector<200xf32> to vector<200x1xf32>
    %div3A_377 = arith.constant 1.280000e+02 : f32
    %div3A_378 = vector.broadcast %div3A_377 : f32 to vector<200x1xf32>
    %div3A_379 = arith.divf %broadcast_in_dim3A_376, %div3A_378 : vector<200x1xf32>
    %sub3A_380 = vector.broadcast %div3A_379 : vector<200x1xf32> to vector<200x128xf32>
    %sub3A_381 = arith.subf %add3A_373, %sub3A_380 : vector<200x128xf32>
    %integer_pow3A_382 = arith.mulf %sub3A_381, %sub3A_381 : vector<200x128xf32>
    %reduce_sum3A_383 = arith.constant dense<0.000000e+00> : vector<200xf32>
    %reduce_sum3A_384 = vector.multi_reduction <add>, %integer_pow3A_382, %reduce_sum3A_383 [1] : vector<200x128xf32> to vector<200xf32>
    %broadcast_in_dim3A_385 = vector.shape_cast %reduce_sum3A_384 : vector<200xf32> to vector<200x1xf32>
    %div3A_386 = arith.constant 1.280000e+02 : f32
    %div3A_387 = vector.broadcast %div3A_386 : f32 to vector<200x1xf32>
    %div3A_388 = arith.divf %broadcast_in_dim3A_385, %div3A_387 : vector<200x1xf32>
    %sub3A_389 = vector.broadcast %div3A_379 : vector<200x1xf32> to vector<200x128xf32>
    %sub3A_390 = arith.subf %add3A_373, %sub3A_389 : vector<200x128xf32>
    %add3A_391 = arith.constant 9.99999974E-6 : f32
    %add3A_392 = vector.broadcast %add3A_391 : f32 to vector<200x1xf32>
    %add3A_393 = arith.addf %div3A_388, %add3A_392 : vector<200x1xf32>
    %rsqrt3A_394 = math.rsqrt %add3A_393 : vector<200x1xf32>
    %mul3A_395 = vector.broadcast %rsqrt3A_394 : vector<200x1xf32> to vector<200x128xf32>
    %mul3A_396 = arith.mulf %sub3A_390, %mul3A_395 : vector<200x128xf32>
    %mul3A_397 = vector.broadcast %get3A_1 : vector<1x128xf32> to vector<200x128xf32>
    %mul3A_398 = arith.mulf %mul3A_396, %mul3A_397 : vector<200x128xf32>
    %add3A_399 = vector.broadcast %get3A_4 : vector<1x128xf32> to vector<200x128xf32>
    %add3A_400 = arith.addf %mul3A_398, %add3A_399 : vector<200x128xf32>
    %swap3A_401 = arith.constant 8 : index
    %swap3A_402 = arith.constant 0 : index
    %swap3A_403 = arith.constant 0 : index
    %swap3A_404 = vector.load %arg7[%swap3A_401, %swap3A_402, %swap3A_403] : memref<25x200x128xf32, #tpu.memory_space<vmem>>, vector<1x200x128xf32>
    %swap3A_405 = vector.shape_cast %swap3A_404 : vector<1x200x128xf32> to vector<200x128xf32>
    %swap3A_406 = vector.shape_cast %add3A_400 : vector<200x128xf32> to vector<1x200x128xf32>
    tpu.vector_store %arg7[%swap3A_401, %swap3A_402, %swap3A_403], %swap3A_406 {strides = array<i32>} : memref<25x200x128xf32, #tpu.memory_space<vmem>>, vector<1x200x128xf32>,
    %get3A_407 = arith.constant 1 : index
    %get3A_408 = arith.constant 0 : index
    %get3A_409 = vector.load %arg1[%get3A_407, %get3A_408] : memref<5x128xf32, #tpu.memory_space<vmem>>, vector<1x128xf32>
    %get3A_410 = arith.constant 4 : index
    %get3A_411 = arith.constant 0 : index
    %get3A_412 = vector.load %arg2[%get3A_410, %get3A_411] : memref<5x128xf32, #tpu.memory_space<vmem>>, vector<1x128xf32>
    %add3A_413 = arith.addf %get3A_409, %get3A_412 : vector<1x128xf32>
    %mul3A_414 = arith.constant 11.3137083 : f32
    %mul3A_415 = vector.broadcast %mul3A_414 : f32 to vector<1x128xf32>
    %mul3A_416 = arith.mulf %mul3A_415, %add3A_413 : vector<1x128xf32>
    %add3A_417 = vector.broadcast %mul3A_416 : vector<1x128xf32> to vector<200x128xf32>
    %add3A_418 = arith.addf %mul3A_9, %add3A_417 : vector<200x128xf32>
    %reduce_sum3A_419 = arith.constant dense<0.000000e+00> : vector<200xf32>
    %reduce_sum3A_420 = vector.multi_reduction <add>, %add3A_418, %reduce_sum3A_419 [1] : vector<200x128xf32> to vector<200xf32>
    %broadcast_in_dim3A_421 = vector.shape_cast %reduce_sum3A_420 : vector<200xf32> to vector<200x1xf32>
    %div3A_422 = arith.constant 1.280000e+02 : f32
    %div3A_423 = vector.broadcast %div3A_422 : f32 to vector<200x1xf32>
    %div3A_424 = arith.divf %broadcast_in_dim3A_421, %div3A_423 : vector<200x1xf32>
    %sub3A_425 = vector.broadcast %div3A_424 : vector<200x1xf32> to vector<200x128xf32>
    %sub3A_426 = arith.subf %add3A_418, %sub3A_425 : vector<200x128xf32>
    %integer_pow3A_427 = arith.mulf %sub3A_426, %sub3A_426 : vector<200x128xf32>
    %reduce_sum3A_428 = arith.constant dense<0.000000e+00> : vector<200xf32>
    %reduce_sum3A_429 = vector.multi_reduction <add>, %integer_pow3A_427, %reduce_sum3A_428 [1] : vector<200x128xf32> to vector<200xf32>
    %broadcast_in_dim3A_430 = vector.shape_cast %reduce_sum3A_429 : vector<200xf32> to vector<200x1xf32>
    %div3A_431 = arith.constant 1.280000e+02 : f32
    %div3A_432 = vector.broadcast %div3A_431 : f32 to vector<200x1xf32>
    %div3A_433 = arith.divf %broadcast_in_dim3A_430, %div3A_432 : vector<200x1xf32>
    %sub3A_434 = vector.broadcast %div3A_424 : vector<200x1xf32> to vector<200x128xf32>
    %sub3A_435 = arith.subf %add3A_418, %sub3A_434 : vector<200x128xf32>
    %add3A_436 = arith.constant 9.99999974E-6 : f32
    %add3A_437 = vector.broadcast %add3A_436 : f32 to vector<200x1xf32>
    %add3A_438 = arith.addf %div3A_433, %add3A_437 : vector<200x1xf32>
    %rsqrt3A_439 = math.rsqrt %add3A_438 : vector<200x1xf32>
    %mul3A_440 = vector.broadcast %rsqrt3A_439 : vector<200x1xf32> to vector<200x128xf32>
    %mul3A_441 = arith.mulf %sub3A_435, %mul3A_440 : vector<200x128xf32>
    %mul3A_442 = vector.broadcast %get3A_1 : vector<1x128xf32> to vector<200x128xf32>
    %mul3A_443 = arith.mulf %mul3A_441, %mul3A_442 : vector<200x128xf32>
    %add3A_444 = vector.broadcast %get3A_4 : vector<1x128xf32> to vector<200x128xf32>
    %add3A_445 = arith.addf %mul3A_443, %add3A_444 : vector<200x128xf32>
    %swap3A_446 = arith.constant 9 : index
    %swap3A_447 = arith.constant 0 : index
    %swap3A_448 = arith.constant 0 : index
    %swap3A_449 = vector.load %arg7[%swap3A_446, %swap3A_447, %swap3A_448] : memref<25x200x128xf32, #tpu.memory_space<vmem>>, vector<1x200x128xf32>
    %swap3A_450 = vector.shape_cast %swap3A_449 : vector<1x200x128xf32> to vector<200x128xf32>
    %swap3A_451 = vector.shape_cast %add3A_445 : vector<200x128xf32> to vector<1x200x128xf32>
    tpu.vector_store %arg7[%swap3A_446, %swap3A_447, %swap3A_448], %swap3A_451 {strides = array<i32>} : memref<25x200x128xf32, #tpu.memory_space<vmem>>, vector<1x200x128xf32>,
    %get3A_452 = arith.constant 2 : index
    %get3A_453 = arith.constant 0 : index
    %get3A_454 = vector.load %arg1[%get3A_452, %get3A_453] : memref<5x128xf32, #tpu.memory_space<vmem>>, vector<1x128xf32>
    %get3A_455 = arith.constant 0 : index
    %get3A_456 = arith.constant 0 : index
    %get3A_457 = vector.load %arg2[%get3A_455, %get3A_456] : memref<5x128xf32, #tpu.memory_space<vmem>>, vector<1x128xf32>
    %add3A_458 = arith.addf %get3A_454, %get3A_457 : vector<1x128xf32>
    %mul3A_459 = arith.constant 11.3137083 : f32
    %mul3A_460 = vector.broadcast %mul3A_459 : f32 to vector<1x128xf32>
    %mul3A_461 = arith.mulf %mul3A_460, %add3A_458 : vector<1x128xf32>
    %add3A_462 = vector.broadcast %mul3A_461 : vector<1x128xf32> to vector<200x128xf32>
    %add3A_463 = arith.addf %mul3A_9, %add3A_462 : vector<200x128xf32>
    %reduce_sum3A_464 = arith.constant dense<0.000000e+00> : vector<200xf32>
    %reduce_sum3A_465 = vector.multi_reduction <add>, %add3A_463, %reduce_sum3A_464 [1] : vector<200x128xf32> to vector<200xf32>
    %broadcast_in_dim3A_466 = vector.shape_cast %reduce_sum3A_465 : vector<200xf32> to vector<200x1xf32>
    %div3A_467 = arith.constant 1.280000e+02 : f32
    %div3A_468 = vector.broadcast %div3A_467 : f32 to vector<200x1xf32>
    %div3A_469 = arith.divf %broadcast_in_dim3A_466, %div3A_468 : vector<200x1xf32>
    %sub3A_470 = vector.broadcast %div3A_469 : vector<200x1xf32> to vector<200x128xf32>
    %sub3A_471 = arith.subf %add3A_463, %sub3A_470 : vector<200x128xf32>
    %integer_pow3A_472 = arith.mulf %sub3A_471, %sub3A_471 : vector<200x128xf32>
    %reduce_sum3A_473 = arith.constant dense<0.000000e+00> : vector<200xf32>
    %reduce_sum3A_474 = vector.multi_reduction <add>, %integer_pow3A_472, %reduce_sum3A_473 [1] : vector<200x128xf32> to vector<200xf32>
    %broadcast_in_dim3A_475 = vector.shape_cast %reduce_sum3A_474 : vector<200xf32> to vector<200x1xf32>
    %div3A_476 = arith.constant 1.280000e+02 : f32
    %div3A_477 = vector.broadcast %div3A_476 : f32 to vector<200x1xf32>
    %div3A_478 = arith.divf %broadcast_in_dim3A_475, %div3A_477 : vector<200x1xf32>
    %sub3A_479 = vector.broadcast %div3A_469 : vector<200x1xf32> to vector<200x128xf32>
    %sub3A_480 = arith.subf %add3A_463, %sub3A_479 : vector<200x128xf32>
    %add3A_481 = arith.constant 9.99999974E-6 : f32
    %add3A_482 = vector.broadcast %add3A_481 : f32 to vector<200x1xf32>
    %add3A_483 = arith.addf %div3A_478, %add3A_482 : vector<200x1xf32>
    %rsqrt3A_484 = math.rsqrt %add3A_483 : vector<200x1xf32>
    %mul3A_485 = vector.broadcast %rsqrt3A_484 : vector<200x1xf32> to vector<200x128xf32>
    %mul3A_486 = arith.mulf %sub3A_480, %mul3A_485 : vector<200x128xf32>
    %mul3A_487 = vector.broadcast %get3A_1 : vector<1x128xf32> to vector<200x128xf32>
    %mul3A_488 = arith.mulf %mul3A_486, %mul3A_487 : vector<200x128xf32>
    %add3A_489 = vector.broadcast %get3A_4 : vector<1x128xf32> to vector<200x128xf32>
    %add3A_490 = arith.addf %mul3A_488, %add3A_489 : vector<200x128xf32>
    %swap3A_491 = arith.constant 10 : index
    %swap3A_492 = arith.constant 0 : index
    %swap3A_493 = arith.constant 0 : index
    %swap3A_494 = vector.load %arg7[%swap3A_491, %swap3A_492, %swap3A_493] : memref<25x200x128xf32, #tpu.memory_space<vmem>>, vector<1x200x128xf32>
    %swap3A_495 = vector.shape_cast %swap3A_494 : vector<1x200x128xf32> to vector<200x128xf32>
    %swap3A_496 = vector.shape_cast %add3A_490 : vector<200x128xf32> to vector<1x200x128xf32>
    tpu.vector_store %arg7[%swap3A_491, %swap3A_492, %swap3A_493], %swap3A_496 {strides = array<i32>} : memref<25x200x128xf32, #tpu.memory_space<vmem>>, vector<1x200x128xf32>,
    %get3A_497 = arith.constant 2 : index
    %get3A_498 = arith.constant 0 : index
    %get3A_499 = vector.load %arg1[%get3A_497, %get3A_498] : memref<5x128xf32, #tpu.memory_space<vmem>>, vector<1x128xf32>
    %get3A_500 = arith.constant 1 : index
    %get3A_501 = arith.constant 0 : index
    %get3A_502 = vector.load %arg2[%get3A_500, %get3A_501] : memref<5x128xf32, #tpu.memory_space<vmem>>, vector<1x128xf32>
    %add3A_503 = arith.addf %get3A_499, %get3A_502 : vector<1x128xf32>
    %mul3A_504 = arith.constant 11.3137083 : f32
    %mul3A_505 = vector.broadcast %mul3A_504 : f32 to vector<1x128xf32>
    %mul3A_506 = arith.mulf %mul3A_505, %add3A_503 : vector<1x128xf32>
    %add3A_507 = vector.broadcast %mul3A_506 : vector<1x128xf32> to vector<200x128xf32>
    %add3A_508 = arith.addf %mul3A_9, %add3A_507 : vector<200x128xf32>
    %reduce_sum3A_509 = arith.constant dense<0.000000e+00> : vector<200xf32>
    %reduce_sum3A_510 = vector.multi_reduction <add>, %add3A_508, %reduce_sum3A_509 [1] : vector<200x128xf32> to vector<200xf32>
    %broadcast_in_dim3A_511 = vector.shape_cast %reduce_sum3A_510 : vector<200xf32> to vector<200x1xf32>
    %div3A_512 = arith.constant 1.280000e+02 : f32
    %div3A_513 = vector.broadcast %div3A_512 : f32 to vector<200x1xf32>
    %div3A_514 = arith.divf %broadcast_in_dim3A_511, %div3A_513 : vector<200x1xf32>
    %sub3A_515 = vector.broadcast %div3A_514 : vector<200x1xf32> to vector<200x128xf32>
    %sub3A_516 = arith.subf %add3A_508, %sub3A_515 : vector<200x128xf32>
    %integer_pow3A_517 = arith.mulf %sub3A_516, %sub3A_516 : vector<200x128xf32>
    %reduce_sum3A_518 = arith.constant dense<0.000000e+00> : vector<200xf32>
    %reduce_sum3A_519 = vector.multi_reduction <add>, %integer_pow3A_517, %reduce_sum3A_518 [1] : vector<200x128xf32> to vector<200xf32>
    %broadcast_in_dim3A_520 = vector.shape_cast %reduce_sum3A_519 : vector<200xf32> to vector<200x1xf32>
    %div3A_521 = arith.constant 1.280000e+02 : f32
    %div3A_522 = vector.broadcast %div3A_521 : f32 to vector<200x1xf32>
    %div3A_523 = arith.divf %broadcast_in_dim3A_520, %div3A_522 : vector<200x1xf32>
    %sub3A_524 = vector.broadcast %div3A_514 : vector<200x1xf32> to vector<200x128xf32>
    %sub3A_525 = arith.subf %add3A_508, %sub3A_524 : vector<200x128xf32>
    %add3A_526 = arith.constant 9.99999974E-6 : f32
    %add3A_527 = vector.broadcast %add3A_526 : f32 to vector<200x1xf32>
    %add3A_528 = arith.addf %div3A_523, %add3A_527 : vector<200x1xf32>
    %rsqrt3A_529 = math.rsqrt %add3A_528 : vector<200x1xf32>
    %mul3A_530 = vector.broadcast %rsqrt3A_529 : vector<200x1xf32> to vector<200x128xf32>
    %mul3A_531 = arith.mulf %sub3A_525, %mul3A_530 : vector<200x128xf32>
    %mul3A_532 = vector.broadcast %get3A_1 : vector<1x128xf32> to vector<200x128xf32>
    %mul3A_533 = arith.mulf %mul3A_531, %mul3A_532 : vector<200x128xf32>
    %add3A_534 = vector.broadcast %get3A_4 : vector<1x128xf32> to vector<200x128xf32>
    %add3A_535 = arith.addf %mul3A_533, %add3A_534 : vector<200x128xf32>
    %swap3A_536 = arith.constant 11 : index
    %swap3A_537 = arith.constant 0 : index
    %swap3A_538 = arith.constant 0 : index
    %swap3A_539 = vector.load %arg7[%swap3A_536, %swap3A_537, %swap3A_538] : memref<25x200x128xf32, #tpu.memory_space<vmem>>, vector<1x200x128xf32>
    %swap3A_540 = vector.shape_cast %swap3A_539 : vector<1x200x128xf32> to vector<200x128xf32>
    %swap3A_541 = vector.shape_cast %add3A_535 : vector<200x128xf32> to vector<1x200x128xf32>
    tpu.vector_store %arg7[%swap3A_536, %swap3A_537, %swap3A_538], %swap3A_541 {strides = array<i32>} : memref<25x200x128xf32, #tpu.memory_space<vmem>>, vector<1x200x128xf32>,
    %get3A_542 = arith.constant 2 : index
    %get3A_543 = arith.constant 0 : index
    %get3A_544 = vector.load %arg1[%get3A_542, %get3A_543] : memref<5x128xf32, #tpu.memory_space<vmem>>, vector<1x128xf32>
    %get3A_545 = arith.constant 2 : index
    %get3A_546 = arith.constant 0 : index
    %get3A_547 = vector.load %arg2[%get3A_545, %get3A_546] : memref<5x128xf32, #tpu.memory_space<vmem>>, vector<1x128xf32>
    %add3A_548 = arith.addf %get3A_544, %get3A_547 : vector<1x128xf32>
    %mul3A_549 = arith.constant 11.3137083 : f32
    %mul3A_550 = vector.broadcast %mul3A_549 : f32 to vector<1x128xf32>
    %mul3A_551 = arith.mulf %mul3A_550, %add3A_548 : vector<1x128xf32>
    %add3A_552 = vector.broadcast %mul3A_551 : vector<1x128xf32> to vector<200x128xf32>
    %add3A_553 = arith.addf %mul3A_9, %add3A_552 : vector<200x128xf32>
    %reduce_sum3A_554 = arith.constant dense<0.000000e+00> : vector<200xf32>
    %reduce_sum3A_555 = vector.multi_reduction <add>, %add3A_553, %reduce_sum3A_554 [1] : vector<200x128xf32> to vector<200xf32>
    %broadcast_in_dim3A_556 = vector.shape_cast %reduce_sum3A_555 : vector<200xf32> to vector<200x1xf32>
    %div3A_557 = arith.constant 1.280000e+02 : f32
    %div3A_558 = vector.broadcast %div3A_557 : f32 to vector<200x1xf32>
    %div3A_559 = arith.divf %broadcast_in_dim3A_556, %div3A_558 : vector<200x1xf32>
    %sub3A_560 = vector.broadcast %div3A_559 : vector<200x1xf32> to vector<200x128xf32>
    %sub3A_561 = arith.subf %add3A_553, %sub3A_560 : vector<200x128xf32>
    %integer_pow3A_562 = arith.mulf %sub3A_561, %sub3A_561 : vector<200x128xf32>
    %reduce_sum3A_563 = arith.constant dense<0.000000e+00> : vector<200xf32>
    %reduce_sum3A_564 = vector.multi_reduction <add>, %integer_pow3A_562, %reduce_sum3A_563 [1] : vector<200x128xf32> to vector<200xf32>
    %broadcast_in_dim3A_565 = vector.shape_cast %reduce_sum3A_564 : vector<200xf32> to vector<200x1xf32>
    %div3A_566 = arith.constant 1.280000e+02 : f32
    %div3A_567 = vector.broadcast %div3A_566 : f32 to vector<200x1xf32>
    %div3A_568 = arith.divf %broadcast_in_dim3A_565, %div3A_567 : vector<200x1xf32>
    %sub3A_569 = vector.broadcast %div3A_559 : vector<200x1xf32> to vector<200x128xf32>
    %sub3A_570 = arith.subf %add3A_553, %sub3A_569 : vector<200x128xf32>
    %add3A_571 = arith.constant 9.99999974E-6 : f32
    %add3A_572 = vector.broadcast %add3A_571 : f32 to vector<200x1xf32>
    %add3A_573 = arith.addf %div3A_568, %add3A_572 : vector<200x1xf32>
    %rsqrt3A_574 = math.rsqrt %add3A_573 : vector<200x1xf32>
    %mul3A_575 = vector.broadcast %rsqrt3A_574 : vector<200x1xf32> to vector<200x128xf32>
    %mul3A_576 = arith.mulf %sub3A_570, %mul3A_575 : vector<200x128xf32>
    %mul3A_577 = vector.broadcast %get3A_1 : vector<1x128xf32> to vector<200x128xf32>
    %mul3A_578 = arith.mulf %mul3A_576, %mul3A_577 : vector<200x128xf32>
    %add3A_579 = vector.broadcast %get3A_4 : vector<1x128xf32> to vector<200x128xf32>
    %add3A_580 = arith.addf %mul3A_578, %add3A_579 : vector<200x128xf32>
    %swap3A_581 = arith.constant 12 : index
    %swap3A_582 = arith.constant 0 : index
    %swap3A_583 = arith.constant 0 : index
    %swap3A_584 = vector.load %arg7[%swap3A_581, %swap3A_582, %swap3A_583] : memref<25x200x128xf32, #tpu.memory_space<vmem>>, vector<1x200x128xf32>
    %swap3A_585 = vector.shape_cast %swap3A_584 : vector<1x200x128xf32> to vector<200x128xf32>
    %swap3A_586 = vector.shape_cast %add3A_580 : vector<200x128xf32> to vector<1x200x128xf32>
    tpu.vector_store %arg7[%swap3A_581, %swap3A_582, %swap3A_583], %swap3A_586 {strides = array<i32>} : memref<25x200x128xf32, #tpu.memory_space<vmem>>, vector<1x200x128xf32>,
    %get3A_587 = arith.constant 2 : index
    %get3A_588 = arith.constant 0 : index
    %get3A_589 = vector.load %arg1[%get3A_587, %get3A_588] : memref<5x128xf32, #tpu.memory_space<vmem>>, vector<1x128xf32>
    %get3A_590 = arith.constant 3 : index
    %get3A_591 = arith.constant 0 : index
    %get3A_592 = vector.load %arg2[%get3A_590, %get3A_591] : memref<5x128xf32, #tpu.memory_space<vmem>>, vector<1x128xf32>
    %add3A_593 = arith.addf %get3A_589, %get3A_592 : vector<1x128xf32>
    %mul3A_594 = arith.constant 11.3137083 : f32
    %mul3A_595 = vector.broadcast %mul3A_594 : f32 to vector<1x128xf32>
    %mul3A_596 = arith.mulf %mul3A_595, %add3A_593 : vector<1x128xf32>
    %add3A_597 = vector.broadcast %mul3A_596 : vector<1x128xf32> to vector<200x128xf32>
    %add3A_598 = arith.addf %mul3A_9, %add3A_597 : vector<200x128xf32>
    %reduce_sum3A_599 = arith.constant dense<0.000000e+00> : vector<200xf32>
    %reduce_sum3A_600 = vector.multi_reduction <add>, %add3A_598, %reduce_sum3A_599 [1] : vector<200x128xf32> to vector<200xf32>
    %broadcast_in_dim3A_601 = vector.shape_cast %reduce_sum3A_600 : vector<200xf32> to vector<200x1xf32>
    %div3A_602 = arith.constant 1.280000e+02 : f32
    %div3A_603 = vector.broadcast %div3A_602 : f32 to vector<200x1xf32>
    %div3A_604 = arith.divf %broadcast_in_dim3A_601, %div3A_603 : vector<200x1xf32>
    %sub3A_605 = vector.broadcast %div3A_604 : vector<200x1xf32> to vector<200x128xf32>
    %sub3A_606 = arith.subf %add3A_598, %sub3A_605 : vector<200x128xf32>
    %integer_pow3A_607 = arith.mulf %sub3A_606, %sub3A_606 : vector<200x128xf32>
    %reduce_sum3A_608 = arith.constant dense<0.000000e+00> : vector<200xf32>
    %reduce_sum3A_609 = vector.multi_reduction <add>, %integer_pow3A_607, %reduce_sum3A_608 [1] : vector<200x128xf32> to vector<200xf32>
    %broadcast_in_dim3A_610 = vector.shape_cast %reduce_sum3A_609 : vector<200xf32> to vector<200x1xf32>
    %div3A_611 = arith.constant 1.280000e+02 : f32
    %div3A_612 = vector.broadcast %div3A_611 : f32 to vector<200x1xf32>
    %div3A_613 = arith.divf %broadcast_in_dim3A_610, %div3A_612 : vector<200x1xf32>
    %sub3A_614 = vector.broadcast %div3A_604 : vector<200x1xf32> to vector<200x128xf32>
    %sub3A_615 = arith.subf %add3A_598, %sub3A_614 : vector<200x128xf32>
    %add3A_616 = arith.constant 9.99999974E-6 : f32
    %add3A_617 = vector.broadcast %add3A_616 : f32 to vector<200x1xf32>
    %add3A_618 = arith.addf %div3A_613, %add3A_617 : vector<200x1xf32>
    %rsqrt3A_619 = math.rsqrt %add3A_618 : vector<200x1xf32>
    %mul3A_620 = vector.broadcast %rsqrt3A_619 : vector<200x1xf32> to vector<200x128xf32>
    %mul3A_621 = arith.mulf %sub3A_615, %mul3A_620 : vector<200x128xf32>
    %mul3A_622 = vector.broadcast %get3A_1 : vector<1x128xf32> to vector<200x128xf32>
    %mul3A_623 = arith.mulf %mul3A_621, %mul3A_622 : vector<200x128xf32>
    %add3A_624 = vector.broadcast %get3A_4 : vector<1x128xf32> to vector<200x128xf32>
    %add3A_625 = arith.addf %mul3A_623, %add3A_624 : vector<200x128xf32>
    %swap3A_626 = arith.constant 13 : index
    %swap3A_627 = arith.constant 0 : index
    %swap3A_628 = arith.constant 0 : index
    %swap3A_629 = vector.load %arg7[%swap3A_626, %swap3A_627, %swap3A_628] : memref<25x200x128xf32, #tpu.memory_space<vmem>>, vector<1x200x128xf32>
    %swap3A_630 = vector.shape_cast %swap3A_629 : vector<1x200x128xf32> to vector<200x128xf32>
    %swap3A_631 = vector.shape_cast %add3A_625 : vector<200x128xf32> to vector<1x200x128xf32>
    tpu.vector_store %arg7[%swap3A_626, %swap3A_627, %swap3A_628], %swap3A_631 {strides = array<i32>} : memref<25x200x128xf32, #tpu.memory_space<vmem>>, vector<1x200x128xf32>,
    %get3A_632 = arith.constant 2 : index
    %get3A_633 = arith.constant 0 : index
    %get3A_634 = vector.load %arg1[%get3A_632, %get3A_633] : memref<5x128xf32, #tpu.memory_space<vmem>>, vector<1x128xf32>
    %get3A_635 = arith.constant 4 : index
    %get3A_636 = arith.constant 0 : index
    %get3A_637 = vector.load %arg2[%get3A_635, %get3A_636] : memref<5x128xf32, #tpu.memory_space<vmem>>, vector<1x128xf32>
    %add3A_638 = arith.addf %get3A_634, %get3A_637 : vector<1x128xf32>
    %mul3A_639 = arith.constant 11.3137083 : f32
    %mul3A_640 = vector.broadcast %mul3A_639 : f32 to vector<1x128xf32>
    %mul3A_641 = arith.mulf %mul3A_640, %add3A_638 : vector<1x128xf32>
    %add3A_642 = vector.broadcast %mul3A_641 : vector<1x128xf32> to vector<200x128xf32>
    %add3A_643 = arith.addf %mul3A_9, %add3A_642 : vector<200x128xf32>
    %reduce_sum3A_644 = arith.constant dense<0.000000e+00> : vector<200xf32>
    %reduce_sum3A_645 = vector.multi_reduction <add>, %add3A_643, %reduce_sum3A_644 [1] : vector<200x128xf32> to vector<200xf32>
    %broadcast_in_dim3A_646 = vector.shape_cast %reduce_sum3A_645 : vector<200xf32> to vector<200x1xf32>
    %div3A_647 = arith.constant 1.280000e+02 : f32
    %div3A_648 = vector.broadcast %div3A_647 : f32 to vector<200x1xf32>
    %div3A_649 = arith.divf %broadcast_in_dim3A_646, %div3A_648 : vector<200x1xf32>
    %sub3A_650 = vector.broadcast %div3A_649 : vector<200x1xf32> to vector<200x128xf32>
    %sub3A_651 = arith.subf %add3A_643, %sub3A_650 : vector<200x128xf32>
    %integer_pow3A_652 = arith.mulf %sub3A_651, %sub3A_651 : vector<200x128xf32>
    %reduce_sum3A_653 = arith.constant dense<0.000000e+00> : vector<200xf32>
    %reduce_sum3A_654 = vector.multi_reduction <add>, %integer_pow3A_652, %reduce_sum3A_653 [1] : vector<200x128xf32> to vector<200xf32>
    %broadcast_in_dim3A_655 = vector.shape_cast %reduce_sum3A_654 : vector<200xf32> to vector<200x1xf32>
    %div3A_656 = arith.constant 1.280000e+02 : f32
    %div3A_657 = vector.broadcast %div3A_656 : f32 to vector<200x1xf32>
    %div3A_658 = arith.divf %broadcast_in_dim3A_655, %div3A_657 : vector<200x1xf32>
    %sub3A_659 = vector.broadcast %div3A_649 : vector<200x1xf32> to vector<200x128xf32>
    %sub3A_660 = arith.subf %add3A_643, %sub3A_659 : vector<200x128xf32>
    %add3A_661 = arith.constant 9.99999974E-6 : f32
    %add3A_662 = vector.broadcast %add3A_661 : f32 to vector<200x1xf32>
    %add3A_663 = arith.addf %div3A_658, %add3A_662 : vector<200x1xf32>
    %rsqrt3A_664 = math.rsqrt %add3A_663 : vector<200x1xf32>
    %mul3A_665 = vector.broadcast %rsqrt3A_664 : vector<200x1xf32> to vector<200x128xf32>
    %mul3A_666 = arith.mulf %sub3A_660, %mul3A_665 : vector<200x128xf32>
    %mul3A_667 = vector.broadcast %get3A_1 : vector<1x128xf32> to vector<200x128xf32>
    %mul3A_668 = arith.mulf %mul3A_666, %mul3A_667 : vector<200x128xf32>
    %add3A_669 = vector.broadcast %get3A_4 : vector<1x128xf32> to vector<200x128xf32>
    %add3A_670 = arith.addf %mul3A_668, %add3A_669 : vector<200x128xf32>
    %swap3A_671 = arith.constant 14 : index
    %swap3A_672 = arith.constant 0 : index
    %swap3A_673 = arith.constant 0 : index
    %swap3A_674 = vector.load %arg7[%swap3A_671, %swap3A_672, %swap3A_673] : memref<25x200x128xf32, #tpu.memory_space<vmem>>, vector<1x200x128xf32>
    %swap3A_675 = vector.shape_cast %swap3A_674 : vector<1x200x128xf32> to vector<200x128xf32>
    %swap3A_676 = vector.shape_cast %add3A_670 : vector<200x128xf32> to vector<1x200x128xf32>
    tpu.vector_store %arg7[%swap3A_671, %swap3A_672, %swap3A_673], %swap3A_676 {strides = array<i32>} : memref<25x200x128xf32, #tpu.memory_space<vmem>>, vector<1x200x128xf32>,
    %get3A_677 = arith.constant 3 : index
    %get3A_678 = arith.constant 0 : index
    %get3A_679 = vector.load %arg1[%get3A_677, %get3A_678] : memref<5x128xf32, #tpu.memory_space<vmem>>, vector<1x128xf32>
    %get3A_680 = arith.constant 0 : index
    %get3A_681 = arith.constant 0 : index
    %get3A_682 = vector.load %arg2[%get3A_680, %get3A_681] : memref<5x128xf32, #tpu.memory_space<vmem>>, vector<1x128xf32>
    %add3A_683 = arith.addf %get3A_679, %get3A_682 : vector<1x128xf32>
    %mul3A_684 = arith.constant 11.3137083 : f32
    %mul3A_685 = vector.broadcast %mul3A_684 : f32 to vector<1x128xf32>
    %mul3A_686 = arith.mulf %mul3A_685, %add3A_683 : vector<1x128xf32>
    %add3A_687 = vector.broadcast %mul3A_686 : vector<1x128xf32> to vector<200x128xf32>
    %add3A_688 = arith.addf %mul3A_9, %add3A_687 : vector<200x128xf32>
    %reduce_sum3A_689 = arith.constant dense<0.000000e+00> : vector<200xf32>
    %reduce_sum3A_690 = vector.multi_reduction <add>, %add3A_688, %reduce_sum3A_689 [1] : vector<200x128xf32> to vector<200xf32>
    %broadcast_in_dim3A_691 = vector.shape_cast %reduce_sum3A_690 : vector<200xf32> to vector<200x1xf32>
    %div3A_692 = arith.constant 1.280000e+02 : f32
    %div3A_693 = vector.broadcast %div3A_692 : f32 to vector<200x1xf32>
    %div3A_694 = arith.divf %broadcast_in_dim3A_691, %div3A_693 : vector<200x1xf32>
    %sub3A_695 = vector.broadcast %div3A_694 : vector<200x1xf32> to vector<200x128xf32>
    %sub3A_696 = arith.subf %add3A_688, %sub3A_695 : vector<200x128xf32>
    %integer_pow3A_697 = arith.mulf %sub3A_696, %sub3A_696 : vector<200x128xf32>
    %reduce_sum3A_698 = arith.constant dense<0.000000e+00> : vector<200xf32>
    %reduce_sum3A_699 = vector.multi_reduction <add>, %integer_pow3A_697, %reduce_sum3A_698 [1] : vector<200x128xf32> to vector<200xf32>
    %broadcast_in_dim3A_700 = vector.shape_cast %reduce_sum3A_699 : vector<200xf32> to vector<200x1xf32>
    %div3A_701 = arith.constant 1.280000e+02 : f32
    %div3A_702 = vector.broadcast %div3A_701 : f32 to vector<200x1xf32>
    %div3A_703 = arith.divf %broadcast_in_dim3A_700, %div3A_702 : vector<200x1xf32>
    %sub3A_704 = vector.broadcast %div3A_694 : vector<200x1xf32> to vector<200x128xf32>
    %sub3A_705 = arith.subf %add3A_688, %sub3A_704 : vector<200x128xf32>
    %add3A_706 = arith.constant 9.99999974E-6 : f32
    %add3A_707 = vector.broadcast %add3A_706 : f32 to vector<200x1xf32>
    %add3A_708 = arith.addf %div3A_703, %add3A_707 : vector<200x1xf32>
    %rsqrt3A_709 = math.rsqrt %add3A_708 : vector<200x1xf32>
    %mul3A_710 = vector.broadcast %rsqrt3A_709 : vector<200x1xf32> to vector<200x128xf32>
    %mul3A_711 = arith.mulf %sub3A_705, %mul3A_710 : vector<200x128xf32>
    %mul3A_712 = vector.broadcast %get3A_1 : vector<1x128xf32> to vector<200x128xf32>
    %mul3A_713 = arith.mulf %mul3A_711, %mul3A_712 : vector<200x128xf32>
    %add3A_714 = vector.broadcast %get3A_4 : vector<1x128xf32> to vector<200x128xf32>
    %add3A_715 = arith.addf %mul3A_713, %add3A_714 : vector<200x128xf32>
    %swap3A_716 = arith.constant 15 : index
    %swap3A_717 = arith.constant 0 : index
    %swap3A_718 = arith.constant 0 : index
    %swap3A_719 = vector.load %arg7[%swap3A_716, %swap3A_717, %swap3A_718] : memref<25x200x128xf32, #tpu.memory_space<vmem>>, vector<1x200x128xf32>
    %swap3A_720 = vector.shape_cast %swap3A_719 : vector<1x200x128xf32> to vector<200x128xf32>
    %swap3A_721 = vector.shape_cast %add3A_715 : vector<200x128xf32> to vector<1x200x128xf32>
    tpu.vector_store %arg7[%swap3A_716, %swap3A_717, %swap3A_718], %swap3A_721 {strides = array<i32>} : memref<25x200x128xf32, #tpu.memory_space<vmem>>, vector<1x200x128xf32>,
    %get3A_722 = arith.constant 3 : index
    %get3A_723 = arith.constant 0 : index
    %get3A_724 = vector.load %arg1[%get3A_722, %get3A_723] : memref<5x128xf32, #tpu.memory_space<vmem>>, vector<1x128xf32>
    %get3A_725 = arith.constant 1 : index
    %get3A_726 = arith.constant 0 : index
    %get3A_727 = vector.load %arg2[%get3A_725, %get3A_726] : memref<5x128xf32, #tpu.memory_space<vmem>>, vector<1x128xf32>
    %add3A_728 = arith.addf %get3A_724, %get3A_727 : vector<1x128xf32>
    %mul3A_729 = arith.constant 11.3137083 : f32
    %mul3A_730 = vector.broadcast %mul3A_729 : f32 to vector<1x128xf32>
    %mul3A_731 = arith.mulf %mul3A_730, %add3A_728 : vector<1x128xf32>
    %add3A_732 = vector.broadcast %mul3A_731 : vector<1x128xf32> to vector<200x128xf32>
    %add3A_733 = arith.addf %mul3A_9, %add3A_732 : vector<200x128xf32>
    %reduce_sum3A_734 = arith.constant dense<0.000000e+00> : vector<200xf32>
    %reduce_sum3A_735 = vector.multi_reduction <add>, %add3A_733, %reduce_sum3A_734 [1] : vector<200x128xf32> to vector<200xf32>
    %broadcast_in_dim3A_736 = vector.shape_cast %reduce_sum3A_735 : vector<200xf32> to vector<200x1xf32>
    %div3A_737 = arith.constant 1.280000e+02 : f32
    %div3A_738 = vector.broadcast %div3A_737 : f32 to vector<200x1xf32>
    %div3A_739 = arith.divf %broadcast_in_dim3A_736, %div3A_738 : vector<200x1xf32>
    %sub3A_740 = vector.broadcast %div3A_739 : vector<200x1xf32> to vector<200x128xf32>
    %sub3A_741 = arith.subf %add3A_733, %sub3A_740 : vector<200x128xf32>
    %integer_pow3A_742 = arith.mulf %sub3A_741, %sub3A_741 : vector<200x128xf32>
    %reduce_sum3A_743 = arith.constant dense<0.000000e+00> : vector<200xf32>
    %reduce_sum3A_744 = vector.multi_reduction <add>, %integer_pow3A_742, %reduce_sum3A_743 [1] : vector<200x128xf32> to vector<200xf32>
    %broadcast_in_dim3A_745 = vector.shape_cast %reduce_sum3A_744 : vector<200xf32> to vector<200x1xf32>
    %div3A_746 = arith.constant 1.280000e+02 : f32
    %div3A_747 = vector.broadcast %div3A_746 : f32 to vector<200x1xf32>
    %div3A_748 = arith.divf %broadcast_in_dim3A_745, %div3A_747 : vector<200x1xf32>
    %sub3A_749 = vector.broadcast %div3A_739 : vector<200x1xf32> to vector<200x128xf32>
    %sub3A_750 = arith.subf %add3A_733, %sub3A_749 : vector<200x128xf32>
    %add3A_751 = arith.constant 9.99999974E-6 : f32
    %add3A_752 = vector.broadcast %add3A_751 : f32 to vector<200x1xf32>
    %add3A_753 = arith.addf %div3A_748, %add3A_752 : vector<200x1xf32>
    %rsqrt3A_754 = math.rsqrt %add3A_753 : vector<200x1xf32>
    %mul3A_755 = vector.broadcast %rsqrt3A_754 : vector<200x1xf32> to vector<200x128xf32>
    %mul3A_756 = arith.mulf %sub3A_750, %mul3A_755 : vector<200x128xf32>
    %mul3A_757 = vector.broadcast %get3A_1 : vector<1x128xf32> to vector<200x128xf32>
    %mul3A_758 = arith.mulf %mul3A_756, %mul3A_757 : vector<200x128xf32>
    %add3A_759 = vector.broadcast %get3A_4 : vector<1x128xf32> to vector<200x128xf32>
    %add3A_760 = arith.addf %mul3A_758, %add3A_759 : vector<200x128xf32>
    %swap3A_761 = arith.constant 16 : index
    %swap3A_762 = arith.constant 0 : index
    %swap3A_763 = arith.constant 0 : index
    %swap3A_764 = vector.load %arg7[%swap3A_761, %swap3A_762, %swap3A_763] : memref<25x200x128xf32, #tpu.memory_space<vmem>>, vector<1x200x128xf32>
    %swap3A_765 = vector.shape_cast %swap3A_764 : vector<1x200x128xf32> to vector<200x128xf32>
    %swap3A_766 = vector.shape_cast %add3A_760 : vector<200x128xf32> to vector<1x200x128xf32>
    tpu.vector_store %arg7[%swap3A_761, %swap3A_762, %swap3A_763], %swap3A_766 {strides = array<i32>} : memref<25x200x128xf32, #tpu.memory_space<vmem>>, vector<1x200x128xf32>,
    %get3A_767 = arith.constant 3 : index
    %get3A_768 = arith.constant 0 : index
    %get3A_769 = vector.load %arg1[%get3A_767, %get3A_768] : memref<5x128xf32, #tpu.memory_space<vmem>>, vector<1x128xf32>
    %get3A_770 = arith.constant 2 : index
    %get3A_771 = arith.constant 0 : index
    %get3A_772 = vector.load %arg2[%get3A_770, %get3A_771] : memref<5x128xf32, #tpu.memory_space<vmem>>, vector<1x128xf32>
    %add3A_773 = arith.addf %get3A_769, %get3A_772 : vector<1x128xf32>
    %mul3A_774 = arith.constant 11.3137083 : f32
    %mul3A_775 = vector.broadcast %mul3A_774 : f32 to vector<1x128xf32>
    %mul3A_776 = arith.mulf %mul3A_775, %add3A_773 : vector<1x128xf32>
    %add3A_777 = vector.broadcast %mul3A_776 : vector<1x128xf32> to vector<200x128xf32>
    %add3A_778 = arith.addf %mul3A_9, %add3A_777 : vector<200x128xf32>
    %reduce_sum3A_779 = arith.constant dense<0.000000e+00> : vector<200xf32>
    %reduce_sum3A_780 = vector.multi_reduction <add>, %add3A_778, %reduce_sum3A_779 [1] : vector<200x128xf32> to vector<200xf32>
    %broadcast_in_dim3A_781 = vector.shape_cast %reduce_sum3A_780 : vector<200xf32> to vector<200x1xf32>
    %div3A_782 = arith.constant 1.280000e+02 : f32
    %div3A_783 = vector.broadcast %div3A_782 : f32 to vector<200x1xf32>
    %div3A_784 = arith.divf %broadcast_in_dim3A_781, %div3A_783 : vector<200x1xf32>
    %sub3A_785 = vector.broadcast %div3A_784 : vector<200x1xf32> to vector<200x128xf32>
    %sub3A_786 = arith.subf %add3A_778, %sub3A_785 : vector<200x128xf32>
    %integer_pow3A_787 = arith.mulf %sub3A_786, %sub3A_786 : vector<200x128xf32>
    %reduce_sum3A_788 = arith.constant dense<0.000000e+00> : vector<200xf32>
    %reduce_sum3A_789 = vector.multi_reduction <add>, %integer_pow3A_787, %reduce_sum3A_788 [1] : vector<200x128xf32> to vector<200xf32>
    %broadcast_in_dim3A_790 = vector.shape_cast %reduce_sum3A_789 : vector<200xf32> to vector<200x1xf32>
    %div3A_791 = arith.constant 1.280000e+02 : f32
    %div3A_792 = vector.broadcast %div3A_791 : f32 to vector<200x1xf32>
    %div3A_793 = arith.divf %broadcast_in_dim3A_790, %div3A_792 : vector<200x1xf32>
    %sub3A_794 = vector.broadcast %div3A_784 : vector<200x1xf32> to vector<200x128xf32>
    %sub3A_795 = arith.subf %add3A_778, %sub3A_794 : vector<200x128xf32>
    %add3A_796 = arith.constant 9.99999974E-6 : f32
    %add3A_797 = vector.broadcast %add3A_796 : f32 to vector<200x1xf32>
    %add3A_798 = arith.addf %div3A_793, %add3A_797 : vector<200x1xf32>
    %rsqrt3A_799 = math.rsqrt %add3A_798 : vector<200x1xf32>
    %mul3A_800 = vector.broadcast %rsqrt3A_799 : vector<200x1xf32> to vector<200x128xf32>
    %mul3A_801 = arith.mulf %sub3A_795, %mul3A_800 : vector<200x128xf32>
    %mul3A_802 = vector.broadcast %get3A_1 : vector<1x128xf32> to vector<200x128xf32>
    %mul3A_803 = arith.mulf %mul3A_801, %mul3A_802 : vector<200x128xf32>
    %add3A_804 = vector.broadcast %get3A_4 : vector<1x128xf32> to vector<200x128xf32>
    %add3A_805 = arith.addf %mul3A_803, %add3A_804 : vector<200x128xf32>
    %swap3A_806 = arith.constant 17 : index
    %swap3A_807 = arith.constant 0 : index
    %swap3A_808 = arith.constant 0 : index
    %swap3A_809 = vector.load %arg7[%swap3A_806, %swap3A_807, %swap3A_808] : memref<25x200x128xf32, #tpu.memory_space<vmem>>, vector<1x200x128xf32>
    %swap3A_810 = vector.shape_cast %swap3A_809 : vector<1x200x128xf32> to vector<200x128xf32>
    %swap3A_811 = vector.shape_cast %add3A_805 : vector<200x128xf32> to vector<1x200x128xf32>
    tpu.vector_store %arg7[%swap3A_806, %swap3A_807, %swap3A_808], %swap3A_811 {strides = array<i32>} : memref<25x200x128xf32, #tpu.memory_space<vmem>>, vector<1x200x128xf32>,
    %get3A_812 = arith.constant 3 : index
    %get3A_813 = arith.constant 0 : index
    %get3A_814 = vector.load %arg1[%get3A_812, %get3A_813] : memref<5x128xf32, #tpu.memory_space<vmem>>, vector<1x128xf32>
    %get3A_815 = arith.constant 3 : index
    %get3A_816 = arith.constant 0 : index
    %get3A_817 = vector.load %arg2[%get3A_815, %get3A_816] : memref<5x128xf32, #tpu.memory_space<vmem>>, vector<1x128xf32>
    %add3A_818 = arith.addf %get3A_814, %get3A_817 : vector<1x128xf32>
    %mul3A_819 = arith.constant 11.3137083 : f32
    %mul3A_820 = vector.broadcast %mul3A_819 : f32 to vector<1x128xf32>
    %mul3A_821 = arith.mulf %mul3A_820, %add3A_818 : vector<1x128xf32>
    %add3A_822 = vector.broadcast %mul3A_821 : vector<1x128xf32> to vector<200x128xf32>
    %add3A_823 = arith.addf %mul3A_9, %add3A_822 : vector<200x128xf32>
    %reduce_sum3A_824 = arith.constant dense<0.000000e+00> : vector<200xf32>
    %reduce_sum3A_825 = vector.multi_reduction <add>, %add3A_823, %reduce_sum3A_824 [1] : vector<200x128xf32> to vector<200xf32>
    %broadcast_in_dim3A_826 = vector.shape_cast %reduce_sum3A_825 : vector<200xf32> to vector<200x1xf32>
    %div3A_827 = arith.constant 1.280000e+02 : f32
    %div3A_828 = vector.broadcast %div3A_827 : f32 to vector<200x1xf32>
    %div3A_829 = arith.divf %broadcast_in_dim3A_826, %div3A_828 : vector<200x1xf32>
    %sub3A_830 = vector.broadcast %div3A_829 : vector<200x1xf32> to vector<200x128xf32>
    %sub3A_831 = arith.subf %add3A_823, %sub3A_830 : vector<200x128xf32>
    %integer_pow3A_832 = arith.mulf %sub3A_831, %sub3A_831 : vector<200x128xf32>
    %reduce_sum3A_833 = arith.constant dense<0.000000e+00> : vector<200xf32>
    %reduce_sum3A_834 = vector.multi_reduction <add>, %integer_pow3A_832, %reduce_sum3A_833 [1] : vector<200x128xf32> to vector<200xf32>
    %broadcast_in_dim3A_835 = vector.shape_cast %reduce_sum3A_834 : vector<200xf32> to vector<200x1xf32>
    %div3A_836 = arith.constant 1.280000e+02 : f32
    %div3A_837 = vector.broadcast %div3A_836 : f32 to vector<200x1xf32>
    %div3A_838 = arith.divf %broadcast_in_dim3A_835, %div3A_837 : vector<200x1xf32>
    %sub3A_839 = vector.broadcast %div3A_829 : vector<200x1xf32> to vector<200x128xf32>
    %sub3A_840 = arith.subf %add3A_823, %sub3A_839 : vector<200x128xf32>
    %add3A_841 = arith.constant 9.99999974E-6 : f32
    %add3A_842 = vector.broadcast %add3A_841 : f32 to vector<200x1xf32>
    %add3A_843 = arith.addf %div3A_838, %add3A_842 : vector<200x1xf32>
    %rsqrt3A_844 = math.rsqrt %add3A_843 : vector<200x1xf32>
    %mul3A_845 = vector.broadcast %rsqrt3A_844 : vector<200x1xf32> to vector<200x128xf32>
    %mul3A_846 = arith.mulf %sub3A_840, %mul3A_845 : vector<200x128xf32>
    %mul3A_847 = vector.broadcast %get3A_1 : vector<1x128xf32> to vector<200x128xf32>
    %mul3A_848 = arith.mulf %mul3A_846, %mul3A_847 : vector<200x128xf32>
    %add3A_849 = vector.broadcast %get3A_4 : vector<1x128xf32> to vector<200x128xf32>
    %add3A_850 = arith.addf %mul3A_848, %add3A_849 : vector<200x128xf32>
    %swap3A_851 = arith.constant 18 : index
    %swap3A_852 = arith.constant 0 : index
    %swap3A_853 = arith.constant 0 : index
    %swap3A_854 = vector.load %arg7[%swap3A_851, %swap3A_852, %swap3A_853] : memref<25x200x128xf32, #tpu.memory_space<vmem>>, vector<1x200x128xf32>
    %swap3A_855 = vector.shape_cast %swap3A_854 : vector<1x200x128xf32> to vector<200x128xf32>
    %swap3A_856 = vector.shape_cast %add3A_850 : vector<200x128xf32> to vector<1x200x128xf32>
    tpu.vector_store %arg7[%swap3A_851, %swap3A_852, %swap3A_853], %swap3A_856 {strides = array<i32>} : memref<25x200x128xf32, #tpu.memory_space<vmem>>, vector<1x200x128xf32>,
    %get3A_857 = arith.constant 3 : index
    %get3A_858 = arith.constant 0 : index
    %get3A_859 = vector.load %arg1[%get3A_857, %get3A_858] : memref<5x128xf32, #tpu.memory_space<vmem>>, vector<1x128xf32>
    %get3A_860 = arith.constant 4 : index
    %get3A_861 = arith.constant 0 : index
    %get3A_862 = vector.load %arg2[%get3A_860, %get3A_861] : memref<5x128xf32, #tpu.memory_space<vmem>>, vector<1x128xf32>
    %add3A_863 = arith.addf %get3A_859, %get3A_862 : vector<1x128xf32>
    %mul3A_864 = arith.constant 11.3137083 : f32
    %mul3A_865 = vector.broadcast %mul3A_864 : f32 to vector<1x128xf32>
    %mul3A_866 = arith.mulf %mul3A_865, %add3A_863 : vector<1x128xf32>
    %add3A_867 = vector.broadcast %mul3A_866 : vector<1x128xf32> to vector<200x128xf32>
    %add3A_868 = arith.addf %mul3A_9, %add3A_867 : vector<200x128xf32>
    %reduce_sum3A_869 = arith.constant dense<0.000000e+00> : vector<200xf32>
    %reduce_sum3A_870 = vector.multi_reduction <add>, %add3A_868, %reduce_sum3A_869 [1] : vector<200x128xf32> to vector<200xf32>
    %broadcast_in_dim3A_871 = vector.shape_cast %reduce_sum3A_870 : vector<200xf32> to vector<200x1xf32>
    %div3A_872 = arith.constant 1.280000e+02 : f32
    %div3A_873 = vector.broadcast %div3A_872 : f32 to vector<200x1xf32>
    %div3A_874 = arith.divf %broadcast_in_dim3A_871, %div3A_873 : vector<200x1xf32>
    %sub3A_875 = vector.broadcast %div3A_874 : vector<200x1xf32> to vector<200x128xf32>
    %sub3A_876 = arith.subf %add3A_868, %sub3A_875 : vector<200x128xf32>
    %integer_pow3A_877 = arith.mulf %sub3A_876, %sub3A_876 : vector<200x128xf32>
    %reduce_sum3A_878 = arith.constant dense<0.000000e+00> : vector<200xf32>
    %reduce_sum3A_879 = vector.multi_reduction <add>, %integer_pow3A_877, %reduce_sum3A_878 [1] : vector<200x128xf32> to vector<200xf32>
    %broadcast_in_dim3A_880 = vector.shape_cast %reduce_sum3A_879 : vector<200xf32> to vector<200x1xf32>
    %div3A_881 = arith.constant 1.280000e+02 : f32
    %div3A_882 = vector.broadcast %div3A_881 : f32 to vector<200x1xf32>
    %div3A_883 = arith.divf %broadcast_in_dim3A_880, %div3A_882 : vector<200x1xf32>
    %sub3A_884 = vector.broadcast %div3A_874 : vector<200x1xf32> to vector<200x128xf32>
    %sub3A_885 = arith.subf %add3A_868, %sub3A_884 : vector<200x128xf32>
    %add3A_886 = arith.constant 9.99999974E-6 : f32
    %add3A_887 = vector.broadcast %add3A_886 : f32 to vector<200x1xf32>
    %add3A_888 = arith.addf %div3A_883, %add3A_887 : vector<200x1xf32>
    %rsqrt3A_889 = math.rsqrt %add3A_888 : vector<200x1xf32>
    %mul3A_890 = vector.broadcast %rsqrt3A_889 : vector<200x1xf32> to vector<200x128xf32>
    %mul3A_891 = arith.mulf %sub3A_885, %mul3A_890 : vector<200x128xf32>
    %mul3A_892 = vector.broadcast %get3A_1 : vector<1x128xf32> to vector<200x128xf32>
    %mul3A_893 = arith.mulf %mul3A_891, %mul3A_892 : vector<200x128xf32>
    %add3A_894 = vector.broadcast %get3A_4 : vector<1x128xf32> to vector<200x128xf32>
    %add3A_895 = arith.addf %mul3A_893, %add3A_894 : vector<200x128xf32>
    %swap3A_896 = arith.constant 19 : index
    %swap3A_897 = arith.constant 0 : index
    %swap3A_898 = arith.constant 0 : index
    %swap3A_899 = vector.load %arg7[%swap3A_896, %swap3A_897, %swap3A_898] : memref<25x200x128xf32, #tpu.memory_space<vmem>>, vector<1x200x128xf32>
    %swap3A_900 = vector.shape_cast %swap3A_899 : vector<1x200x128xf32> to vector<200x128xf32>
    %swap3A_901 = vector.shape_cast %add3A_895 : vector<200x128xf32> to vector<1x200x128xf32>
    tpu.vector_store %arg7[%swap3A_896, %swap3A_897, %swap3A_898], %swap3A_901 {strides = array<i32>} : memref<25x200x128xf32, #tpu.memory_space<vmem>>, vector<1x200x128xf32>,
    %get3A_902 = arith.constant 4 : index
    %get3A_903 = arith.constant 0 : index
    %get3A_904 = vector.load %arg1[%get3A_902, %get3A_903] : memref<5x128xf32, #tpu.memory_space<vmem>>, vector<1x128xf32>
    %get3A_905 = arith.constant 0 : index
    %get3A_906 = arith.constant 0 : index
    %get3A_907 = vector.load %arg2[%get3A_905, %get3A_906] : memref<5x128xf32, #tpu.memory_space<vmem>>, vector<1x128xf32>
    %add3A_908 = arith.addf %get3A_904, %get3A_907 : vector<1x128xf32>
    %mul3A_909 = arith.constant 11.3137083 : f32
    %mul3A_910 = vector.broadcast %mul3A_909 : f32 to vector<1x128xf32>
    %mul3A_911 = arith.mulf %mul3A_910, %add3A_908 : vector<1x128xf32>
    %add3A_912 = vector.broadcast %mul3A_911 : vector<1x128xf32> to vector<200x128xf32>
    %add3A_913 = arith.addf %mul3A_9, %add3A_912 : vector<200x128xf32>
    %reduce_sum3A_914 = arith.constant dense<0.000000e+00> : vector<200xf32>
    %reduce_sum3A_915 = vector.multi_reduction <add>, %add3A_913, %reduce_sum3A_914 [1] : vector<200x128xf32> to vector<200xf32>
    %broadcast_in_dim3A_916 = vector.shape_cast %reduce_sum3A_915 : vector<200xf32> to vector<200x1xf32>
    %div3A_917 = arith.constant 1.280000e+02 : f32
    %div3A_918 = vector.broadcast %div3A_917 : f32 to vector<200x1xf32>
    %div3A_919 = arith.divf %broadcast_in_dim3A_916, %div3A_918 : vector<200x1xf32>
    %sub3A_920 = vector.broadcast %div3A_919 : vector<200x1xf32> to vector<200x128xf32>
    %sub3A_921 = arith.subf %add3A_913, %sub3A_920 : vector<200x128xf32>
    %integer_pow3A_922 = arith.mulf %sub3A_921, %sub3A_921 : vector<200x128xf32>
    %reduce_sum3A_923 = arith.constant dense<0.000000e+00> : vector<200xf32>
    %reduce_sum3A_924 = vector.multi_reduction <add>, %integer_pow3A_922, %reduce_sum3A_923 [1] : vector<200x128xf32> to vector<200xf32>
    %broadcast_in_dim3A_925 = vector.shape_cast %reduce_sum3A_924 : vector<200xf32> to vector<200x1xf32>
    %div3A_926 = arith.constant 1.280000e+02 : f32
    %div3A_927 = vector.broadcast %div3A_926 : f32 to vector<200x1xf32>
    %div3A_928 = arith.divf %broadcast_in_dim3A_925, %div3A_927 : vector<200x1xf32>
    %sub3A_929 = vector.broadcast %div3A_919 : vector<200x1xf32> to vector<200x128xf32>
    %sub3A_930 = arith.subf %add3A_913, %sub3A_929 : vector<200x128xf32>
    %add3A_931 = arith.constant 9.99999974E-6 : f32
    %add3A_932 = vector.broadcast %add3A_931 : f32 to vector<200x1xf32>
    %add3A_933 = arith.addf %div3A_928, %add3A_932 : vector<200x1xf32>
    %rsqrt3A_934 = math.rsqrt %add3A_933 : vector<200x1xf32>
    %mul3A_935 = vector.broadcast %rsqrt3A_934 : vector<200x1xf32> to vector<200x128xf32>
    %mul3A_936 = arith.mulf %sub3A_930, %mul3A_935 : vector<200x128xf32>
    %mul3A_937 = vector.broadcast %get3A_1 : vector<1x128xf32> to vector<200x128xf32>
    %mul3A_938 = arith.mulf %mul3A_936, %mul3A_937 : vector<200x128xf32>
    %add3A_939 = vector.broadcast %get3A_4 : vector<1x128xf32> to vector<200x128xf32>
    %add3A_940 = arith.addf %mul3A_938, %add3A_939 : vector<200x128xf32>
    %swap3A_941 = arith.constant 20 : index
    %swap3A_942 = arith.constant 0 : index
    %swap3A_943 = arith.constant 0 : index
    %swap3A_944 = vector.load %arg7[%swap3A_941, %swap3A_942, %swap3A_943] : memref<25x200x128xf32, #tpu.memory_space<vmem>>, vector<1x200x128xf32>
    %swap3A_945 = vector.shape_cast %swap3A_944 : vector<1x200x128xf32> to vector<200x128xf32>
    %swap3A_946 = vector.shape_cast %add3A_940 : vector<200x128xf32> to vector<1x200x128xf32>
    tpu.vector_store %arg7[%swap3A_941, %swap3A_942, %swap3A_943], %swap3A_946 {strides = array<i32>} : memref<25x200x128xf32, #tpu.memory_space<vmem>>, vector<1x200x128xf32>,
    %get3A_947 = arith.constant 4 : index
    %get3A_948 = arith.constant 0 : index
    %get3A_949 = vector.load %arg1[%get3A_947, %get3A_948] : memref<5x128xf32, #tpu.memory_space<vmem>>, vector<1x128xf32>
    %get3A_950 = arith.constant 1 : index
    %get3A_951 = arith.constant 0 : index
    %get3A_952 = vector.load %arg2[%get3A_950, %get3A_951] : memref<5x128xf32, #tpu.memory_space<vmem>>, vector<1x128xf32>
    %add3A_953 = arith.addf %get3A_949, %get3A_952 : vector<1x128xf32>
    %mul3A_954 = arith.constant 11.3137083 : f32
    %mul3A_955 = vector.broadcast %mul3A_954 : f32 to vector<1x128xf32>
    %mul3A_956 = arith.mulf %mul3A_955, %add3A_953 : vector<1x128xf32>
    %add3A_957 = vector.broadcast %mul3A_956 : vector<1x128xf32> to vector<200x128xf32>
    %add3A_958 = arith.addf %mul3A_9, %add3A_957 : vector<200x128xf32>
    %reduce_sum3A_959 = arith.constant dense<0.000000e+00> : vector<200xf32>
    %reduce_sum3A_960 = vector.multi_reduction <add>, %add3A_958, %reduce_sum3A_959 [1] : vector<200x128xf32> to vector<200xf32>
    %broadcast_in_dim3A_961 = vector.shape_cast %reduce_sum3A_960 : vector<200xf32> to vector<200x1xf32>
    %div3A_962 = arith.constant 1.280000e+02 : f32
    %div3A_963 = vector.broadcast %div3A_962 : f32 to vector<200x1xf32>
    %div3A_964 = arith.divf %broadcast_in_dim3A_961, %div3A_963 : vector<200x1xf32>
    %sub3A_965 = vector.broadcast %div3A_964 : vector<200x1xf32> to vector<200x128xf32>
    %sub3A_966 = arith.subf %add3A_958, %sub3A_965 : vector<200x128xf32>
    %integer_pow3A_967 = arith.mulf %sub3A_966, %sub3A_966 : vector<200x128xf32>
    %reduce_sum3A_968 = arith.constant dense<0.000000e+00> : vector<200xf32>
    %reduce_sum3A_969 = vector.multi_reduction <add>, %integer_pow3A_967, %reduce_sum3A_968 [1] : vector<200x128xf32> to vector<200xf32>
    %broadcast_in_dim3A_970 = vector.shape_cast %reduce_sum3A_969 : vector<200xf32> to vector<200x1xf32>
    %div3A_971 = arith.constant 1.280000e+02 : f32
    %div3A_972 = vector.broadcast %div3A_971 : f32 to vector<200x1xf32>
    %div3A_973 = arith.divf %broadcast_in_dim3A_970, %div3A_972 : vector<200x1xf32>
    %sub3A_974 = vector.broadcast %div3A_964 : vector<200x1xf32> to vector<200x128xf32>
    %sub3A_975 = arith.subf %add3A_958, %sub3A_974 : vector<200x128xf32>
    %add3A_976 = arith.constant 9.99999974E-6 : f32
    %add3A_977 = vector.broadcast %add3A_976 : f32 to vector<200x1xf32>
    %add3A_978 = arith.addf %div3A_973, %add3A_977 : vector<200x1xf32>
    %rsqrt3A_979 = math.rsqrt %add3A_978 : vector<200x1xf32>
    %mul3A_980 = vector.broadcast %rsqrt3A_979 : vector<200x1xf32> to vector<200x128xf32>
    %mul3A_981 = arith.mulf %sub3A_975, %mul3A_980 : vector<200x128xf32>
    %mul3A_982 = vector.broadcast %get3A_1 : vector<1x128xf32> to vector<200x128xf32>
    %mul3A_983 = arith.mulf %mul3A_981, %mul3A_982 : vector<200x128xf32>
    %add3A_984 = vector.broadcast %get3A_4 : vector<1x128xf32> to vector<200x128xf32>
    %add3A_985 = arith.addf %mul3A_983, %add3A_984 : vector<200x128xf32>
    %swap3A_986 = arith.constant 21 : index
    %swap3A_987 = arith.constant 0 : index
    %swap3A_988 = arith.constant 0 : index
    %swap3A_989 = vector.load %arg7[%swap3A_986, %swap3A_987, %swap3A_988] : memref<25x200x128xf32, #tpu.memory_space<vmem>>, vector<1x200x128xf32>
    %swap3A_990 = vector.shape_cast %swap3A_989 : vector<1x200x128xf32> to vector<200x128xf32>
    %swap3A_991 = vector.shape_cast %add3A_985 : vector<200x128xf32> to vector<1x200x128xf32>
    tpu.vector_store %arg7[%swap3A_986, %swap3A_987, %swap3A_988], %swap3A_991 {strides = array<i32>} : memref<25x200x128xf32, #tpu.memory_space<vmem>>, vector<1x200x128xf32>,
    %get3A_992 = arith.constant 4 : index
    %get3A_993 = arith.constant 0 : index
    %get3A_994 = vector.load %arg1[%get3A_992, %get3A_993] : memref<5x128xf32, #tpu.memory_space<vmem>>, vector<1x128xf32>
    %get3A_995 = arith.constant 2 : index
    %get3A_996 = arith.constant 0 : index
    %get3A_997 = vector.load %arg2[%get3A_995, %get3A_996] : memref<5x128xf32, #tpu.memory_space<vmem>>, vector<1x128xf32>
    %add3A_998 = arith.addf %get3A_994, %get3A_997 : vector<1x128xf32>
    %mul3A_999 = arith.constant 11.3137083 : f32
    %mul3A_1000 = vector.broadcast %mul3A_999 : f32 to vector<1x128xf32>
    %mul3A_1001 = arith.mulf %mul3A_1000, %add3A_998 : vector<1x128xf32>
    %add3A_1002 = vector.broadcast %mul3A_1001 : vector<1x128xf32> to vector<200x128xf32>
    %add3A_1003 = arith.addf %mul3A_9, %add3A_1002 : vector<200x128xf32>
    %reduce_sum3A_1004 = arith.constant dense<0.000000e+00> : vector<200xf32>
    %reduce_sum3A_1005 = vector.multi_reduction <add>, %add3A_1003, %reduce_sum3A_1004 [1] : vector<200x128xf32> to vector<200xf32>
    %broadcast_in_dim3A_1006 = vector.shape_cast %reduce_sum3A_1005 : vector<200xf32> to vector<200x1xf32>
    %div3A_1007 = arith.constant 1.280000e+02 : f32
    %div3A_1008 = vector.broadcast %div3A_1007 : f32 to vector<200x1xf32>
    %div3A_1009 = arith.divf %broadcast_in_dim3A_1006, %div3A_1008 : vector<200x1xf32>
    %sub3A_1010 = vector.broadcast %div3A_1009 : vector<200x1xf32> to vector<200x128xf32>
    %sub3A_1011 = arith.subf %add3A_1003, %sub3A_1010 : vector<200x128xf32>
    %integer_pow3A_1012 = arith.mulf %sub3A_1011, %sub3A_1011 : vector<200x128xf32>
    %reduce_sum3A_1013 = arith.constant dense<0.000000e+00> : vector<200xf32>
    %reduce_sum3A_1014 = vector.multi_reduction <add>, %integer_pow3A_1012, %reduce_sum3A_1013 [1] : vector<200x128xf32> to vector<200xf32>
    %broadcast_in_dim3A_1015 = vector.shape_cast %reduce_sum3A_1014 : vector<200xf32> to vector<200x1xf32>
    %div3A_1016 = arith.constant 1.280000e+02 : f32
    %div3A_1017 = vector.broadcast %div3A_1016 : f32 to vector<200x1xf32>
    %div3A_1018 = arith.divf %broadcast_in_dim3A_1015, %div3A_1017 : vector<200x1xf32>
    %sub3A_1019 = vector.broadcast %div3A_1009 : vector<200x1xf32> to vector<200x128xf32>
    %sub3A_1020 = arith.subf %add3A_1003, %sub3A_1019 : vector<200x128xf32>
    %add3A_1021 = arith.constant 9.99999974E-6 : f32
    %add3A_1022 = vector.broadcast %add3A_1021 : f32 to vector<200x1xf32>
    %add3A_1023 = arith.addf %div3A_1018, %add3A_1022 : vector<200x1xf32>
    %rsqrt3A_1024 = math.rsqrt %add3A_1023 : vector<200x1xf32>
    %mul3A_1025 = vector.broadcast %rsqrt3A_1024 : vector<200x1xf32> to vector<200x128xf32>
    %mul3A_1026 = arith.mulf %sub3A_1020, %mul3A_1025 : vector<200x128xf32>
    %mul3A_1027 = vector.broadcast %get3A_1 : vector<1x128xf32> to vector<200x128xf32>
    %mul3A_1028 = arith.mulf %mul3A_1026, %mul3A_1027 : vector<200x128xf32>
    %add3A_1029 = vector.broadcast %get3A_4 : vector<1x128xf32> to vector<200x128xf32>
    %add3A_1030 = arith.addf %mul3A_1028, %add3A_1029 : vector<200x128xf32>
    %swap3A_1031 = arith.constant 22 : index
    %swap3A_1032 = arith.constant 0 : index
    %swap3A_1033 = arith.constant 0 : index
    %swap3A_1034 = vector.load %arg7[%swap3A_1031, %swap3A_1032, %swap3A_1033] : memref<25x200x128xf32, #tpu.memory_space<vmem>>, vector<1x200x128xf32>
    %swap3A_1035 = vector.shape_cast %swap3A_1034 : vector<1x200x128xf32> to vector<200x128xf32>
    %swap3A_1036 = vector.shape_cast %add3A_1030 : vector<200x128xf32> to vector<1x200x128xf32>
    tpu.vector_store %arg7[%swap3A_1031, %swap3A_1032, %swap3A_1033], %swap3A_1036 {strides = array<i32>} : memref<25x200x128xf32, #tpu.memory_space<vmem>>, vector<1x200x128xf32>,
    %get3A_1037 = arith.constant 4 : index
    %get3A_1038 = arith.constant 0 : index
    %get3A_1039 = vector.load %arg1[%get3A_1037, %get3A_1038] : memref<5x128xf32, #tpu.memory_space<vmem>>, vector<1x128xf32>
    %get3A_1040 = arith.constant 3 : index
    %get3A_1041 = arith.constant 0 : index
    %get3A_1042 = vector.load %arg2[%get3A_1040, %get3A_1041] : memref<5x128xf32, #tpu.memory_space<vmem>>, vector<1x128xf32>
    %add3A_1043 = arith.addf %get3A_1039, %get3A_1042 : vector<1x128xf32>
    %mul3A_1044 = arith.constant 11.3137083 : f32
    %mul3A_1045 = vector.broadcast %mul3A_1044 : f32 to vector<1x128xf32>
    %mul3A_1046 = arith.mulf %mul3A_1045, %add3A_1043 : vector<1x128xf32>
    %add3A_1047 = vector.broadcast %mul3A_1046 : vector<1x128xf32> to vector<200x128xf32>
    %add3A_1048 = arith.addf %mul3A_9, %add3A_1047 : vector<200x128xf32>
    %reduce_sum3A_1049 = arith.constant dense<0.000000e+00> : vector<200xf32>
    %reduce_sum3A_1050 = vector.multi_reduction <add>, %add3A_1048, %reduce_sum3A_1049 [1] : vector<200x128xf32> to vector<200xf32>
    %broadcast_in_dim3A_1051 = vector.shape_cast %reduce_sum3A_1050 : vector<200xf32> to vector<200x1xf32>
    %div3A_1052 = arith.constant 1.280000e+02 : f32
    %div3A_1053 = vector.broadcast %div3A_1052 : f32 to vector<200x1xf32>
    %div3A_1054 = arith.divf %broadcast_in_dim3A_1051, %div3A_1053 : vector<200x1xf32>
    %sub3A_1055 = vector.broadcast %div3A_1054 : vector<200x1xf32> to vector<200x128xf32>
    %sub3A_1056 = arith.subf %add3A_1048, %sub3A_1055 : vector<200x128xf32>
    %integer_pow3A_1057 = arith.mulf %sub3A_1056, %sub3A_1056 : vector<200x128xf32>
    %reduce_sum3A_1058 = arith.constant dense<0.000000e+00> : vector<200xf32>
    %reduce_sum3A_1059 = vector.multi_reduction <add>, %integer_pow3A_1057, %reduce_sum3A_1058 [1] : vector<200x128xf32> to vector<200xf32>
    %broadcast_in_dim3A_1060 = vector.shape_cast %reduce_sum3A_1059 : vector<200xf32> to vector<200x1xf32>
    %div3A_1061 = arith.constant 1.280000e+02 : f32
    %div3A_1062 = vector.broadcast %div3A_1061 : f32 to vector<200x1xf32>
    %div3A_1063 = arith.divf %broadcast_in_dim3A_1060, %div3A_1062 : vector<200x1xf32>
    %sub3A_1064 = vector.broadcast %div3A_1054 : vector<200x1xf32> to vector<200x128xf32>
    %sub3A_1065 = arith.subf %add3A_1048, %sub3A_1064 : vector<200x128xf32>
    %add3A_1066 = arith.constant 9.99999974E-6 : f32
    %add3A_1067 = vector.broadcast %add3A_1066 : f32 to vector<200x1xf32>
    %add3A_1068 = arith.addf %div3A_1063, %add3A_1067 : vector<200x1xf32>
    %rsqrt3A_1069 = math.rsqrt %add3A_1068 : vector<200x1xf32>
    %mul3A_1070 = vector.broadcast %rsqrt3A_1069 : vector<200x1xf32> to vector<200x128xf32>
    %mul3A_1071 = arith.mulf %sub3A_1065, %mul3A_1070 : vector<200x128xf32>
    %mul3A_1072 = vector.broadcast %get3A_1 : vector<1x128xf32> to vector<200x128xf32>
    %mul3A_1073 = arith.mulf %mul3A_1071, %mul3A_1072 : vector<200x128xf32>
    %add3A_1074 = vector.broadcast %get3A_4 : vector<1x128xf32> to vector<200x128xf32>
    %add3A_1075 = arith.addf %mul3A_1073, %add3A_1074 : vector<200x128xf32>
    %swap3A_1076 = arith.constant 23 : index
    %swap3A_1077 = arith.constant 0 : index
    %swap3A_1078 = arith.constant 0 : index
    %swap3A_1079 = vector.load %arg7[%swap3A_1076, %swap3A_1077, %swap3A_1078] : memref<25x200x128xf32, #tpu.memory_space<vmem>>, vector<1x200x128xf32>
    %swap3A_1080 = vector.shape_cast %swap3A_1079 : vector<1x200x128xf32> to vector<200x128xf32>
    %swap3A_1081 = vector.shape_cast %add3A_1075 : vector<200x128xf32> to vector<1x200x128xf32>
    tpu.vector_store %arg7[%swap3A_1076, %swap3A_1077, %swap3A_1078], %swap3A_1081 {strides = array<i32>} : memref<25x200x128xf32, #tpu.memory_space<vmem>>, vector<1x200x128xf32>,
    %get3A_1082 = arith.constant 4 : index
    %get3A_1083 = arith.constant 0 : index
    %get3A_1084 = vector.load %arg1[%get3A_1082, %get3A_1083] : memref<5x128xf32, #tpu.memory_space<vmem>>, vector<1x128xf32>
    %get3A_1085 = arith.constant 4 : index
    %get3A_1086 = arith.constant 0 : index
    %get3A_1087 = vector.load %arg2[%get3A_1085, %get3A_1086] : memref<5x128xf32, #tpu.memory_space<vmem>>, vector<1x128xf32>
    %add3A_1088 = arith.addf %get3A_1084, %get3A_1087 : vector<1x128xf32>
    %mul3A_1089 = arith.constant 11.3137083 : f32
    %mul3A_1090 = vector.broadcast %mul3A_1089 : f32 to vector<1x128xf32>
    %mul3A_1091 = arith.mulf %mul3A_1090, %add3A_1088 : vector<1x128xf32>
    %add3A_1092 = vector.broadcast %mul3A_1091 : vector<1x128xf32> to vector<200x128xf32>
    %add3A_1093 = arith.addf %mul3A_9, %add3A_1092 : vector<200x128xf32>
    %reduce_sum3A_1094 = arith.constant dense<0.000000e+00> : vector<200xf32>
    %reduce_sum3A_1095 = vector.multi_reduction <add>, %add3A_1093, %reduce_sum3A_1094 [1] : vector<200x128xf32> to vector<200xf32>
    %broadcast_in_dim3A_1096 = vector.shape_cast %reduce_sum3A_1095 : vector<200xf32> to vector<200x1xf32>
    %div3A_1097 = arith.constant 1.280000e+02 : f32
    %div3A_1098 = vector.broadcast %div3A_1097 : f32 to vector<200x1xf32>
    %div3A_1099 = arith.divf %broadcast_in_dim3A_1096, %div3A_1098 : vector<200x1xf32>
    %sub3A_1100 = vector.broadcast %div3A_1099 : vector<200x1xf32> to vector<200x128xf32>
    %sub3A_1101 = arith.subf %add3A_1093, %sub3A_1100 : vector<200x128xf32>
    %integer_pow3A_1102 = arith.mulf %sub3A_1101, %sub3A_1101 : vector<200x128xf32>
    %reduce_sum3A_1103 = arith.constant dense<0.000000e+00> : vector<200xf32>
    %reduce_sum3A_1104 = vector.multi_reduction <add>, %integer_pow3A_1102, %reduce_sum3A_1103 [1] : vector<200x128xf32> to vector<200xf32>
    %broadcast_in_dim3A_1105 = vector.shape_cast %reduce_sum3A_1104 : vector<200xf32> to vector<200x1xf32>
    %div3A_1106 = arith.constant 1.280000e+02 : f32
    %div3A_1107 = vector.broadcast %div3A_1106 : f32 to vector<200x1xf32>
    %div3A_1108 = arith.divf %broadcast_in_dim3A_1105, %div3A_1107 : vector<200x1xf32>
    %sub3A_1109 = vector.broadcast %div3A_1099 : vector<200x1xf32> to vector<200x128xf32>
    %sub3A_1110 = arith.subf %add3A_1093, %sub3A_1109 : vector<200x128xf32>
    %add3A_1111 = arith.constant 9.99999974E-6 : f32
    %add3A_1112 = vector.broadcast %add3A_1111 : f32 to vector<200x1xf32>
    %add3A_1113 = arith.addf %div3A_1108, %add3A_1112 : vector<200x1xf32>
    %rsqrt3A_1114 = math.rsqrt %add3A_1113 : vector<200x1xf32>
    %mul3A_1115 = vector.broadcast %rsqrt3A_1114 : vector<200x1xf32> to vector<200x128xf32>
    %mul3A_1116 = arith.mulf %sub3A_1110, %mul3A_1115 : vector<200x128xf32>
    %mul3A_1117 = vector.broadcast %get3A_1 : vector<1x128xf32> to vector<200x128xf32>
    %mul3A_1118 = arith.mulf %mul3A_1116, %mul3A_1117 : vector<200x128xf32>
    %add3A_1119 = vector.broadcast %get3A_4 : vector<1x128xf32> to vector<200x128xf32>
    %add3A_1120 = arith.addf %mul3A_1118, %add3A_1119 : vector<200x128xf32>
    %swap3A_1121 = arith.constant 24 : index
    %swap3A_1122 = arith.constant 0 : index
    %swap3A_1123 = arith.constant 0 : index
    %swap3A_1124 = vector.load %arg7[%swap3A_1121, %swap3A_1122, %swap3A_1123] : memref<25x200x128xf32, #tpu.memory_space<vmem>>, vector<1x200x128xf32>
    %swap3A_1125 = vector.shape_cast %swap3A_1124 : vector<1x200x128xf32> to vector<200x128xf32>
    %swap3A_1126 = vector.shape_cast %add3A_1120 : vector<200x128xf32> to vector<1x200x128xf32>
    tpu.vector_store %arg7[%swap3A_1121, %swap3A_1122, %swap3A_1123], %swap3A_1126 {strides = array<i32>} : memref<25x200x128xf32, #tpu.memory_space<vmem>>, vector<1x200x128xf32>,
    %iota3A = tpu.iota {dimensions = array<i32: 0>} : vector<200x4096xi32>
    %get3A_1127 = arith.constant 0 : index
    %get3A_1128 = arith.constant 0 : index
    %get3A_1129 = vector.load %arg5[%get3A_1127, %get3A_1128] : memref<200x4096xi32, #tpu.memory_space<vmem>>, vector<200x4096xi32>
    %mul3A_1130 = arith.constant 5 : i32
    %mul3A_1131 = vector.broadcast %mul3A_1130 : i32 to vector<200x4096xi32>
    %mul3A_1132 = arith.muli %mul3A_1131, %get3A_1129 : vector<200x4096xi32>
    %get3A_1133 = arith.constant 0 : index
    %get3A_1134 = arith.constant 0 : index
    %get3A_1135 = vector.load %arg6[%get3A_1133, %get3A_1134] : memref<200x4096xi32, #tpu.memory_space<vmem>>, vector<200x4096xi32>
    %add3A_1136 = arith.addi %mul3A_1132, %get3A_1135 : vector<200x4096xi32>
    %mul3A_1137 = arith.constant 200 : i32
    %mul3A_1138 = vector.broadcast %mul3A_1137 : i32 to vector<200x4096xi32>
    %mul3A_1139 = arith.muli %add3A_1136, %mul3A_1138 : vector<200x4096xi32>
    %add3A_1140 = arith.addi %mul3A_1139, %iota3A : vector<200x4096xi32>
    %swap3A_1141 = arith.constant 0 : index
    %swap3A_1142 = arith.constant 0 : index
    %swap3A_1143 = vector.load %arg8[%swap3A_1141, %swap3A_1142] : memref<200x4096xi32, #tpu.memory_space<vmem>>, vector<200x4096xi32>
    tpu.vector_store %arg8[%swap3A_1141, %swap3A_1142], %add3A_1140 {strides = array<i32>} : memref<200x4096xi32, #tpu.memory_space<vmem>>, vector<200x4096xi32>,
    return
  }
}

</mosaic_0001>

<sc_bundles>
// kernel: kernel.4.cloned.1.call-start
scs
__scs_entry_jumppad:
0x0: {  	(pc) =	sbr.rel $0x88, $3  }
0x1: {  	(tag) =	ssettag $0x0;
	lr =	simm.s32 $0x1  }
0x2: {  	[smem:$0x3F9A] =	sst lr;
	_ =	strace $0xD0000000  }
0x3: {  	_ = 	snop  }
0x4: {  	_ = 	snop  }
0x5: {  	_ = 	snop  }
0x6: {  	_ = 	snop  }
0x7: {  	_ = 	snop  }
__scs_overlays_trampoline_lowered:
0x8: {  	[smem:$0x3FA9] =	sst s0  }
0x9: {  	[smem:$0x3FAA] =	sst s1  }
0xa: {  	[smem:$0x3FAB] =	sst s2  }
0xb: {  	[smem:$0x3FAC] =	sst s3  }
0xc: {  	[smem:$0x3FAD] =	sst s4  }
0xd: {  	[smem:$0x3FAE] =	sst s5  }
0xe: {  	[smem:$0x3FAF] =	sst s6  }
0xf: {  	[smem:$0x3FB0] =	sst s7  }
0x10: {  	[smem:$0x3FB1] =	sst s8  }
0x11: {  	[smem:$0x3FB2] =	sst s9;
	s0 =	simm.s32 @!p0 $0x0  }
0x12: {  	s1 =	sld [smem:$0x3F98];
	s0 =	simm.s32 @p0 $0x1  }
0x13: {  	[smem:$0x3FB3] =	sst s0;
	s0 =	simm.s32 @!p1 $0x0  }
0x14: {  	s2 =	sld [smem:$0x3F97];
	s0 =	simm.s32 @p1 $0x1  }
0x15: {  	[smem:$0x3FB4] =	sst s0;
	s0 =	simm.s32 @!p2 $0x0  }
0x16: {  	s3 =	sld [smem:$0x3FDB];
	s0 =	simm.s32 @p2 $0x1  }
0x17: {  	s4 =	simm.s32 $0x1BF5;
	[smem:$0x3FB6] =	sst s0  }
0x18: {  	s0 =	sld [smem:$0x3F99];
	_ =	swait.ge [sflag:s4], $0x0  }
0x19: {  	s7 =	sld [smem:$0x3F9A]  }
0x1a: {  	s8 =	sadd.s32 $0xFFFFE003, lr  }
0x1b: {  	s9 =	sadd.s32 $0xFFFFFEF7, lr;
	s5 =	simm.s32 $0xFFFFFFFF;
	p2 =	slt.u32 s8, $0xFFFFF086  }
0x1c: {  	p1 =	slt.u32 s9, $0xF7A;
	s5 =	simm.s32 @!p2 $0x0  }
0x1d: {  	s5 =	simm.s32 @p1 $0x1;
	p0 =	seq.s32 s7, s2  }
0x1e: {  	s7 =	smul.u32 @!p0 $0xF7A, s2;
	p2 =	seq.s32 @!p0 s5, $0x0  }
0x1f: {  	s9 =	smul.u32 $0xF7A, s1;
	s8 =	simm.s32 @!p0 $0x1BF5;
	p2 =	por !p2, p0  }
0x20: {  	[sflag:s8] =	ssyncset.s32 @!p0 $0xFFFFF086;
	s6 =	sadd.s32 @!p0 s3, s7;
	s7 =	simm.s32 @!p0 $0x108  }
0x21: {  	s3 =	sadd.s32 s3, s9;
	s6 =	sadd.s32 @!p0 $0x88, s6;
	s7 =	simm.s32 @p2 $0x1082  }
0x22: {  	[simem:s7], [sflag:s8] =	dma.local @!p0 [hbm:s6], $0xF7A  }
0x23: {  	s9 =	sor.u32 $0xD0000000, s2;
	s6 =	simm.s32 $0x108;
	_ =	swait.ge @!p0 [sflag:s8], $0x0  }
0x24: {  	s3 =	sadd.s32 $0x88, s3;
	s6 =	simm.s32 @!p1 $0x1082;
	[sflag:s4] =	ssyncset.s32 $0xFFFFF086  }
0x25: {  	[simem:s6], [sflag:s4] =	dma.local [hbm:s3], $0xF7A  }
0x26: {  	[smem:$0x3F9A] =	sst s1;
	(tag) =	ssettag s2;
	_ =	strace s9  }
0x27: {  	s1 =	sld [smem:$0x3FAA]  }
0x28: {  	s2 =	sld [smem:$0x3FAB]  }
0x29: {  	s4 =	sld [smem:$0x3FAD]  }
0x2a: {  	p0 =	seq.s32 s5, $0x0;
	s5 =	sld [smem:$0x3FAE]  }
0x2b: {  	s6 =	sld [smem:$0x3FAF]  }
0x2c: {  	s7 =	sld [smem:$0x3FB0]  }
0x2d: {  	s3 =	simm.s32 $0x108;
	s8 =	sld [smem:$0x3FB1]  }
0x2e: {  	s3 =	simm.s32 @!p0 $0x1082;
	s9 =	sld [smem:$0x3FB2]  }
0x2f: {  	lr =	sadd.s32 s0, s3;
	s0 =	sld [smem:$0x3FA9]  }
0x30: {  	s3 =	sld [smem:$0x3FAC]  }
0x31: {  	[smem:$0x3FB5] =	sst s10  }
0x32: {  	s10 =	sld [smem:$0x3FB3];
	_ =	sdelay $0x3  }
0x33: {  	p0 =	seq.s32 s10, $0x1;
	s10 =	sld [smem:$0x3FB5];
	_ =	sdelay $0x3  }
0x34: {  	[smem:$0x3FB5] =	sst s10  }
0x35: {  	s10 =	sld [smem:$0x3FB4];
	_ =	sdelay $0x3  }
0x36: {  	p1 =	seq.s32 s10, $0x1;
	s10 =	sld [smem:$0x3FB5];
	_ =	sdelay $0x3  }
0x37: {  	[smem:$0x3FB5] =	sst s10  }
0x38: {  	s10 =	sld [smem:$0x3FB6]  }
0x39: {  	_ = 	snop;
	(pc) =	sbr.ind lr, $3  }
0x3a: {  	_ = 	snop  }
0x3b: {  	_ = 	snop  }
0x3c: {  	p2 =	seq.s32 s10, $0x1;
	s10 =	sld [smem:$0x3FB5]  }
0x3d: {  	_ =	shalt  }
0x3e: {  	_ =	shalt  }
0x3f: {  	_ =	shalt  }
0x40: {  	_ =	shalt  }
0x41: {  	_ =	shalt  }
0x42: {  	_ =	shalt  }
0x43: {  	_ =	shalt  }
0x44: {  	_ =	shalt  }
0x45: {  	_ =	shalt  }
0x46: {  	_ =	shalt  }
0x47: {  	_ =	shalt  }
0x48: {  	_ =	shalt  }
0x49: {  	_ =	shalt  }
0x4a: {  	_ =	shalt  }
0x4b: {  	_ =	shalt  }
0x4c: {  	_ =	shalt  }
0x4d: {  	_ =	shalt  }
0x4e: {  	_ =	shalt  }
0x4f: {  	_ =	shalt  }
0x50: {  	_ =	shalt  }
0x51: {  	_ =	shalt  }
0x52: {  	_ =	shalt  }
0x53: {  	_ =	shalt  }
0x54: {  	_ =	shalt  }
0x55: {  	_ =	shalt  }
0x56: {  	_ =	shalt  }
0x57: {  	_ =	shalt  }
0x58: {  	_ =	shalt  }
0x59: {  	_ =	shalt  }
0x5a: {  	_ =	shalt  }
0x5b: {  	_ =	shalt  }
0x5c: {  	_ =	shalt  }
0x5d: {  	_ =	shalt  }
0x5e: {  	_ =	shalt  }
0x5f: {  	_ =	shalt  }
0x60: {  	_ =	shalt  }
0x61: {  	_ =	shalt  }
0x62: {  	_ =	shalt  }
0x63: {  	_ =	shalt  }
0x64: {  	_ =	shalt  }
0x65: {  	_ =	shalt  }
0x66: {  	_ =	shalt  }
0x67: {  	_ =	shalt  }
0x68: {  	_ =	shalt  }
0x69: {  	_ =	shalt  }
0x6a: {  	_ =	shalt  }
0x6b: {  	_ =	shalt  }
0x6c: {  	_ =	shalt  }
0x6d: {  	_ =	shalt  }
0x6e: {  	_ =	shalt  }
0x6f: {  	_ =	shalt  }
0x70: {  	_ =	shalt  }
0x71: {  	_ =	shalt  }
0x72: {  	_ =	shalt  }
0x73: {  	_ =	shalt  }
0x74: {  	_ =	shalt  }
0x75: {  	_ =	shalt  }
0x76: {  	_ =	shalt  }
0x77: {  	_ =	shalt  }
0x78: {  	_ =	shalt  }
0x79: {  	_ =	shalt  }
0x7a: {  	_ =	shalt  }
0x7b: {  	_ =	shalt  }
0x7c: {  	_ =	shalt  }
0x7d: {  	_ =	shalt  }
0x7e: {  	_ =	shalt  }
0x7f: {  	_ =	shalt  }
0x80: {  	_ =	shalt  }
0x81: {  	_ =	shalt  }
0x82: {  	_ =	shalt  }
0x83: {  	_ =	shalt  }
0x84: {  	_ =	shalt  }
0x85: {  	_ =	shalt  }
0x86: {  	_ =	shalt  }
0x87: {  	_ =	shalt  }
.Lfunc_end0:
.L_simem_size_0:
called_computation_lowered:
.L_overlay_start_0:
0x88: {  	s2 =	sld [smem:$0x3FD9]  }
0x89: {  	s3 =	sld [smem:$0x3FFE];
	_ =	sdelay $0x1  }
0x8a: {  	s1 =	srdreg.scid  }
0x8b: {  	s0 =	sand.u32 $0x1, s1  }
0x8c: {  	s17 =	sshll.u32 s0, $0xA;
	s2 =	sadd.s32 s3, s2  }
0x8d: {  	s2 =	sadd.s32 s2, s17  }
0x8e: {  	[smem:$0x3FC1] =	sst s2  }
0x8f: {  	_ = 	snop  }
0x90: {  	s2 =	sld [smem:$0x3FD0];
	(tm) =	ssettm $0x1  }
0x91: {  	s18 =	sld [smem:$0x3FFB];
	_ =	sdelay $0x3  }
0x92: {  	_ =	strace s18  }
0x93: {  	s3 =	sld [smem:$0x3FFC];
	_ =	sdelay $0x3  }
0x94: {  	_ =	strace s3  }
0x95: {  	s3 =	sld [smem:$0x3FFD];
	_ =	sdelay $0x3  }
0x96: {  	_ =	strace s3  }
0x97: {  	_ =	strace $0x8FFFFFFF  }
0x98: {  	s19 =	sld [smem:$0x3FDB];
	_ =	sdelay $0x1  }
0x99: {  	s4 =	simm.s32 $_scs_section_size  }
0x9a: {  	s5 =	simm.s32 $_size__tile_overlayer_lowered;
	s6 =	simm.s32 $_tile_overlayer_lowered  }
0x9b: {  	s22 =	simm.s32 $0x1BFF;
	s21 =	sshll.u32 s6, $0x1;
	s3 =	sadd.s32 s4, s19  }
0x9c: {  	s7 =	simm.s32 $0x0;
	s20 =	sshll.u32 s5, $0x1;
	s5 =	sadd.s32 s21, s3  }
0x9d: {  	[timem:s7], [sflag:s22] =	dma.local [hbm:s5], s20  }
0x9e: {  	_ =	swait.ge [sflag:s22], s20  }
0x9f: {  	s4 =	ssub.s32 $0x0, s20;
	[sflag:s22] =	ssyncset.done $0x0  }
0xa0: {  	[sflag:s22] =	ssyncadd.s32 s4;
	_ =	sdelay $0x1  }
0xa1: {  	s23 =	simm.s32 $0x1B8B  }
0xa2: {  	_ =	swait.ge [sflag:s23], $0x1  }
0xa3: {  	[sflag:s23] =	ssyncset.done $0x0  }
0xa4: {  	s25 =	simm.s32 $0x1B8E;
	s24 =	sld [smem:$0x3FFE];
	[sflag:s23] =	ssyncadd.s32 $0xFFFFFFFF  }
0xa5: {  	s26 =	simm.s32 $execute0_lowered;
	[smem:$0x3FD2] =	sst s25  }
0xa6: {  	s5 =	sshll.u32 s26, $0x1;
	_ =	strace $0x80000046;
	[dreg:$0x1] =	wrdreg $0xFFFFFFFF  }
0xa7: {  	s28 =	simm.s32 $_size_execute0_lowered;
	s3 =	sadd.s32 s3, s5;
	[dreg:$0x0] =	wrdreg $0x0  }
0xa8: {  	s5 =	sshll.u32 s28, $0x1;
	[dreg:$0x2] =	wrdreg s3  }
0xa9: {  	[dreg:$0x3] =	wrdreg s5  }
0xaa: {  	[dreg:$0x4] =	wrdreg $0xC0  }
0xab: {  	_ =	task [dreg:s7], $0x5FFFF  }
0xac: {  	[dreg:$0x1] =	wrdreg $0xFFFFFFFF  }
0xad: {  	[dreg:$0x0] =	wrdreg $0x60  }
0xae: {  	[dreg:$0x2] =	wrdreg s24  }
0xaf: {  	[dreg:$0x3] =	wrdreg s2  }
0xb0: {  	[dreg:$0x4] =	wrdreg $0x0  }
0xb1: {  	[dreg:$0x5] =	wrdreg $0x9  }
0xb2: {  	_ =	task.clear_ibuf [dreg:s7], $0x6FFFF;
	_ =	strace $0x90000046  }
0xb3: {  	s29 =	simm.s32 $0x9;
	_ =	strace $0x8000004F  }
0xb4: {  	_ =	swait.ge [sflag:s29], $0x1  }
0xb5: {  	[sflag:s29] =	ssyncadd.s32 $0xFFFFFFFF  }
0xb6: {  	_ =	strace $0x9000004F  }
0xb7: {  	_ =	sfence  }
0xb8: {  	s30 =	sld [smem:$0x0];
	_ =	sdelay $0x2  }
0xb9: {  	s31 =	sshll.u32 s1, $0xD;
	s1 =	sshrl.u32 s1, $0x2  }
0xba: {  	s3 =	sand.u32 $0x4000, s31;
	s1 =	sadd.s32 s1, s30  }
0xbb: {  	s0 =	sor.u32 s3, s0;
	s1 =	sshll.u32 s1, $0x11  }
0xbc: {  	s0 =	sor.u32 s1, s0  }
0xbd: {  	s0 =	sadd.s32 $0x8F2B, s0  }
0xbe: {  	[sflag:s0] =	ssyncadd.remote.s32 $0x1  }
0xbf: {  	_ =	sfence.sel $0xFFFF  }
0xc0: {  	[dreg:$0x0] =	wrdreg $0xFFFFFFFF;
	(pc) =	sbr.abs _section_cstart, $3  }
0xc1: {  	[dreg:$0x1] =	wrdreg $0xFFFFFFFF  }
0xc2: {  	_ =	task.clear_ibuf [dreg:s7], $0x2FFFF;
	_ =	strace $0x9FFFFFFF  }
0xc3: {  	(tm) =	ssettm $0x7FFFFFFF  }
tec
execute0_lowered:
.L_overlay_start_1:
0x0: {  	(tag) =	ssettag $0x1  }
0x1: {  	s0 =	rddreg [dreg:$0x0]  }
0x2: {  	s1 =	rddreg [dreg:$0x1]  }
0x3: {  	s2 =	rddreg [dreg:$0x2];
	s3 =	simm.s32 $0x0  }
0x4: {  	s10 =	stileid.u32;
	s4 =	srdreg.scid;
	s14 =	simm.s32 $0x1  }
0x5: {  	s15 =	simm.s32 $0x80;
	s16 =	simm.s32 $0x2;
	s17 =	simm.s32 $0x6  }
0x6: {  	s18 =	simm.s32 $0x0;
	[dreg:$0x4] =	wrdreg s1;
	s28 =	smul.u32 $0x1380, s10  }
0x7: {  	[smem:$0x7FF] =	sst s3;
	s5 =	sand.u32 $0x1, s4;
	s6 =	smul.u32 $0x27000, s10  }
0x8: {  	s4 =	sadd.s32 $0x15000, s0;
	p0 =	seq.s32 s10, $0xF;
	_ =	strace $0x80000047  }
0x9: {  	s7 =	ssub.s32 $0x2, s5;
	s5 =	sshll.u32 s5, $0x4;
	s1 =	sadd.s32 s28, s0  }
0xa: {  	s8 =	sshrl.u32 s7, $0x1;
	s6 =	sshrl.u32 s6, $0x2;
	s5 =	sor.u32 s10, s5  }
0xb: {  	s0 =	sadd.s32 $0x13A80, s0;
	s9 =	ssub.s32 s7, s8;
	s1 =	sadd.s32 $0x1600, s1  }
0xc: {  	s29 =	smul.u32 $0xC80, s5;
	[dreg:$0x6] =	wrdreg s0;
	s0 =	sshll.u32 @!p0 s10, $0x6  }
0xd: {  	[dreg:$0x5] =	wrdreg s1;
	s1 =	sadd.s32 $0x92400, s2;
	s31 =	smax.u32 s9, $0x1  }
0xe: {  	s11 =	sor.u32 @!p0 $0x1C03, s0;
	s30 =	sadd.s32 s4, s29;
	[dreg:$0x8] =	wrdreg s31  }
0xf: {  	s0 =	simm.s32 @!p0 $0x0;
	s1 =	sshrl.u32 @p0 s1, $0x3;
	[dreg:$0x7] =	wrdreg s30  }
0x10: {  	s6 =	sadd.s32 s6, s2;
	s0 =	simm.s32 @p0 $0x1;
	[dreg:$0x9] =	wrdreg s1  }
0x11: {  	s7 =	smul.u32 $0x64, s5;
	s12 =	sshrl.u32 @!p0 s6, $0x3;
	[smem:$0x7FD] =	sst s0  }
.LBB2_1:
0x12: {  	s0 =	sld [smem:$0x7FD];
	_ =	sdelay $0x2  }
0x13: {  	s1 =	rddreg [dreg:$0x6];
	p0 =	seq.s32 s0, $0x1  }
0x14: {  	s5 =	rddreg [dreg:$0x9];
	s0 =	simm.s32 @p0 $0x1FC3  }
0x15: {  	[spmem:s5], [sflag:s0] =	dma.local @p0 [hbm:s1], $0x1400  }
0x16: {  	s0 =	simm.s32 @p0 $0x3  }
0x17: {  	_ =	swait.ge @p0 [sflag:s0], $0x1400  }
0x18: {  	[sflag:s0] =	ssyncset.done @p0 $0x0  }
0x19: {  	[sflag:s0] =	ssyncadd.s32 @p0 $0xFFFFEC00;
	s0 =	rddreg [dreg:$0x5]  }
0x1a: {  	[spmem:s12], [sflag:s11] =	dma.local @!p0 [hbm:s0], $0x1380  }
0x1b: {  	s0 =	simm.s32 @!p0 $0x3  }
0x1c: {  	_ =	swait.ge @!p0 [sflag:s0], $0x1380  }
0x1d: {  	[sflag:s0] =	ssyncset.done @!p0 $0x0  }
0x1e: {  	[sflag:s0] =	ssyncadd.s32 @!p0 $0xFFFFEC80  }
0x1f: {  	[bflag:$0x0] =	sbarrier.arrive $0xFFFF  }
0x20: {  	_ =	strace $0x80000048  }
0x21: {  	s20 =	simm.s32 $0x9C40;
	s19 =	rddreg [dreg:$0x7]  }
0x22: {  	[tilespmem:s20], [sflag:$0x3] =	stream.linear.gather [hbm4b:s19+s3], $0x100, $0x200038;
	[tilespmem:$0x19E40] =	vst v63  }
0x23: {  	p1 =	por $0x1, $0x1;
	p0 =	por $0x0, $0x0;
	s19 =	simm.s32 $0x1  }
0x24: {  	s26 =	sand.u32 $0x1, s3;
	p2 =	por $0x1, $0x1;
	s19 =	simm.s32 @p0 $0x0  }
0x25: {  	s23 =	simm.s32 $0x0;
	p3 =	por $0x0, $0x0;
	p0 =	sne.s32 s19, $0x0  }
0x26: {  	p4 =	por $0x0, $0x0;
	p6 =	por $0x1, $0x1;
	p1 =	por !p1, !p0  }
0x27: {  	s28 =	simm.s32 $0x0;
	s24 =	sshll.u32 s26, $0xF;
	p1 =	por !p1, !p1  }
0x28: {  	s21 =	sadd.s32 $0x3, s26;
	s29 =	sadd.s32 $0x9E40, s24;
	s0 =	sadd.s32 @p1 s7, s19  }
0x29: {  	_ =	strace $0x90000048;
	s1 =	sshll.u32 @p1 s19, $0x8;
	s0 =	sshll.u32 @p1 s0, $0x8  }
0x2a: {  	p0 =	por p0, p0;
	s1 =	sand.u32 @p1 $0x300, s1;
	s0 =	sand.u32 @p1 $0xFFFFFC00, s0  }
0x2b: {  	_ =	strace @p1 $0x80000049;
	s0 =	sor.u32 @p1 s1, s0;
	s1 =	sand.u32 @p1 $0x1, s14  }
0x2c: {  	s6 =	simm.s32 @p1 $0x0;
	s0 =	sshrl.u32 @p1 s0, $0x3;
	s5 =	sshll.u32 @p1 s1, $0x8  }
0x2d: {  	s1 =	sadd.s32 @p1 $0x3, s1;
	s0 =	sadd.s32 @p1 s4, s0;
	s5 =	sor.u32 @p1 $0x9C40, s5  }
0x2e: {  	[tilespmem:s5], [sflag:s1] =	stream.linear.gather @p1 [hbm4b:s0+s6], $0x100, $0x200038;
	[tilespmem:$0x19E40] =	vst v63  }
0x2f: {  	s20 =	simm.s32 $0x63;
	p0 =	por p3, p0;
	_ =	strace @p1 $0x90000049  }
0x30: {  	s1 =	simm.s32 $0x1;
	s0 =	sadd.s32 $0xDE40, s24;
	_ =	strace $0x8000004A  }
0x31: {  	s6 =	sadd.s32 $0x0, s7;
	s24 =	sadd.s32 $0x1, s19;
	_ =	swait.ge [sflag:s21], $0x100  }
0x32: {  	s1 =	simm.s32 @!p1 $0x0;
	p1 =	por $0x0, $0x0;
	[sflag:s21] =	ssyncset.done $0x0  }
0x33: {  	p5 =	seq.s32 s24, $0x64;
	s6 =	sshll.u32 @p0 s6, $0xC;
	[sflag:s21] =	ssyncadd.s32 $0xFFFFFF00  }
0x34: {  	s22 =	sadd.s32 $0x1, s1;
	s1 =	sand.u32 $0x100, s23;
	_ =	strace $0x9000004A  }
0x35: {  	s23 =	simm.s32 $0x62;
	s25 =	sor.u32 $0x9C40, s1;
	_ =	strace $0x8000004B  }
0x36: {  	[tilespmem:s29], [sflag:$0x1] =	stream.indirect.gather [spmem:s2], $0x80, s25, s15, $0x2000b8;
	[tilespmem:$0x19E40] =	vst v63  }
0x37: {  	s24 =	simm.s32 @p5 $0x0;
	s6 =	sand.u32 @p0 $0x1FFFF000, s6;
	s1 =	sor.u32 $0x9CC0, s1  }
0x38: {  	[tilespmem:s0], [sflag:$0x2] =	stream.indirect.gather [spmem:s2], $0x80, s1, s15, $0x2000b8;
	[tilespmem:$0x19E40] =	vst v63  }
0x39: {  	s0 =	sand.u32 @!p2 $0x1, s3;
	p2 =	por p2, p2;
	_ =	swait.ge [sflag:s14], $0x4000  }
0x3a: {  	s30 =	sadd.s32 @!p2 $0x5, s0;
	s0 =	simm.s32 $0x1;
	[sflag:s14] =	ssyncset.done $0x0  }
0x3b: {  	s0 =	simm.s32 @!p4 $0x0;
	p4 =	sne.s32 s19, s24;
	[sflag:s14] =	ssyncadd.s32 $0xFFFFC000  }
0x3c: {  	s21 =	sadd.s32 $0x0, s0;
	p5 =	por !p6, !p4;
	_ =	swait.ge [sflag:s16], $0x4000  }
0x3d: {  	s0 =	simm.s32 $0x1;
	p3 =	por !p5, !p5;
	[sflag:s16] =	ssyncset.done $0x0  }
0x3e: {  	s0 =	simm.s32 @!p0 $0x0;
	s1 =	sadd.s32 @p3 s7, s24;
	[sflag:s16] =	ssyncadd.s32 $0xFFFFC000  }
0x3f: {  	s13 =	sshll.u32 @p3 s24, $0x8;
	s25 =	sshll.u32 @p3 s1, $0x8;
	_ =	strace $0x9000004B  }
0x40: {  	s1 =	sand.u32 @p3 $0x300, s13;
	s13 =	sand.u32 @p3 $0x1, s22;
	_ =	strace @p0 $0x8000004C  }
0x41: {  	s31 =	sand.u32 @p3 $0xFFFFFC00, s25;
	s25 =	simm.s32 $0x0;
	s5 =	rddreg [dreg:$0x4]  }
.LBB2_2:
0x42: {  	s8 =	sor.u32 @p3 s1, s31;
	s9 =	simm.s32 $0x1;
	s10 =	simm.s32 @p0 $0x0  }
0x43: {  	s31 =	smov.u32 s20;
	s20 =	smov.u32 s23;
	s1 =	smov.u32 s19  }
0x44: {  	p5 =	por p4, p4;
	s19 =	sadd.s32 @p0 $0x5, s26;
	s5 =	sadd.s32 @p0 s5, s6  }
0x45: {  	s28 =	sadd.s32 s0, s28;
	s25 =	sadd.s32 s0, s25;
	s23 =	sadd.s32 $0xFFFFFFFF, s23  }
0x46: {  	[hbm4b:s5+s10] =	stream.linear.scatter @p0 [tilespmem:s29], [sflag:s19], $0x8000, $0x200038;
	[tilespmem:$0x19E40] =	vst v63  }
0x47: {  	s9 =	simm.s32 @!p3 $0x0;
	s8 =	sshrl.u32 @p3 s8, $0x3;
	_ =	strace @p0 $0x9000004C  }
0x48: {  	s26 =	sand.u32 $0x1, s28;
	s0 =	sshll.u32 s28, $0x8;
	_ =	strace @!p2 $0x8000004D  }
0x49: {  	p6 =	sne.s32 s23, $0x0;
	s19 =	smov.u32 s24;
	_ =	swait.ge @!p2 [sflag:s30], $0x8000  }
0x4a: {  	s10 =	sadd.s32 @p3 $0x3, s13;
	s6 =	sadd.s32 s7, s1;
	[sflag:s30] =	ssyncset.done @!p2 $0x0  }
0x4b: {  	s24 =	sadd.s32 $0x1, s24;
	s5 =	sadd.s32 @p3 s4, s8;
	[sflag:s30] =	ssyncadd.s32 @!p2 $0xFFFF8000  }
0x4c: {  	s22 =	sadd.s32 s9, s22;
	s9 =	sshll.u32 @p3 s13, $0x8;
	_ =	strace @!p2 $0x9000004D  }
0x4d: {  	s13 =	simm.s32 @p3 $0x0;
	s9 =	sor.u32 @p3 $0x9C40, s9;
	_ =	strace @p3 $0x80000049  }
0x4e: {  	[tilespmem:s9], [sflag:s10] =	stream.linear.gather @p3 [hbm4b:s5+s13], $0x100, $0x200038;
	[tilespmem:$0x19E40] =	vst v63  }
0x4f: {  	s8 =	sand.u32 @!p1 $0x1, s21;
	s0 =	sand.u32 $0x100, s0;
	_ =	strace @p3 $0x90000049  }
0x50: {  	p4 =	seq.s32 s24, $0x64;
	s9 =	sadd.s32 $0x3, s26;
	_ =	strace $0x8000004A  }
0x51: {  	p0 =	seq.s32 s31, $0x1;
	s24 =	simm.s32 @p4 $0x0;
	_ =	swait.ge [sflag:s9], $0x100  }
0x52: {  	p0 =	por p0, p5;
	p4 =	sne.s32 s19, s24;
	[sflag:s9] =	ssyncset.done $0x0  }
0x53: {  	s6 =	sshll.u32 @p0 s6, $0xC;
	s26 =	sand.u32 $0x1, s25;
	[sflag:s9] =	ssyncadd.s32 $0xFFFFFF00  }
0x54: {  	s6 =	sand.u32 @p0 $0x1FFFF000, s6;
	s10 =	sshll.u32 s26, $0xF;
	_ =	strace $0x9000004A  }
0x55: {  	s13 =	sor.u32 $0x9C40, s0;
	s29 =	sadd.s32 $0x9E40, s10;
	_ =	strace $0x8000004B  }
0x56: {  	[tilespmem:s29], [sflag:$0x1] =	stream.indirect.gather [spmem:s2], $0x80, s13, s15, $0x2000b8;
	[tilespmem:$0x19E40] =	vst v63  }
0x57: {  	p2 =	por p1, p1;
	s0 =	sor.u32 $0x9CC0, s0;
	s5 =	sadd.s32 $0xDE40, s10  }
0x58: {  	[tilespmem:s5], [sflag:$0x2] =	stream.indirect.gather [spmem:s2], $0x80, s0, s15, $0x2000b8;
	[tilespmem:$0x19E40] =	vst v63  }
0x59: {  	p1 =	seq.s32 s20, $0x64;
	s30 =	sadd.s32 @!p2 $0x5, s8;
	_ =	swait.ge [sflag:s14], $0x4000  }
0x5a: {  	p3 =	sne.s32 s31, $0x64;
	s0 =	simm.s32 $0x1;
	[sflag:s14] =	ssyncset.done $0x0  }
0x5b: {  	s0 =	simm.s32 @!p3 $0x0;
	p3 =	sne.s32 s20, $0x1;
	[sflag:s14] =	ssyncadd.s32 $0xFFFFC000  }
0x5c: {  	s21 =	sadd.s32 s0, s21;
	p3 =	por !p3, !p4;
	_ =	swait.ge [sflag:s16], $0x4000  }
.Ltmp0:
0x5d: {  	s0 =	simm.s32 $0x1;
	[sflag:s16] =	ssyncset.done $0x0;
	(pc) =	sbr.rel @p6 .LBB2_2-.Ltmp0, $4  }
0x5e: {  	p3 =	por !p3, !p3;
	s0 =	simm.s32 @!p0 $0x0;
	[sflag:s16] =	ssyncadd.s32 $0xFFFFC000  }
0x5f: {  	s1 =	sadd.s32 @p3 s7, s24;
	s8 =	sshll.u32 @p3 s24, $0x8;
	_ =	strace $0x9000004B  }
0x60: {  	s13 =	sand.u32 @p3 $0x1, s22;
	s9 =	sshll.u32 @p3 s1, $0x8;
	_ =	strace @p0 $0x8000004C  }
0x61: {  	s1 =	sand.u32 @p3 $0x300, s8;
	s31 =	sand.u32 @p3 $0xFFFFFC00, s9;
	s5 =	rddreg [dreg:$0x4]  }
0x62: {  	s5 =	sadd.s32 @p0 s5, s6;
	s6 =	simm.s32 @p0 $0x0;
	s8 =	sadd.s32 @p0 $0x5, s26  }
0x63: {  	[hbm4b:s5+s6] =	stream.linear.scatter @p0 [tilespmem:s29], [sflag:s8], $0x8000, $0x200038;
	[tilespmem:$0x19E40] =	vst v63  }
0x64: {  	_ =	strace @p0 $0x9000004C  }
0x65: {  	_ =	strace @!p2 $0x8000004D  }
0x66: {  	_ =	swait.ge @!p2 [sflag:s30], $0x8000  }
0x67: {  	s1 =	sor.u32 @p3 s1, s31;
	s24 =	sadd.s32 s0, s28;
	[sflag:s30] =	ssyncset.done @!p2 $0x0  }
0x68: {  	s9 =	simm.s32 @p3 $0x0;
	s1 =	sshrl.u32 @p3 s1, $0x3;
	[sflag:s30] =	ssyncadd.s32 @!p2 $0xFFFF8000  }
0x69: {  	s6 =	sshll.u32 @p3 s13, $0x8;
	s8 =	sadd.s32 @p3 $0x3, s13;
	_ =	strace @!p2 $0x9000004D  }
0x6a: {  	s1 =	sadd.s32 @p3 s4, s1;
	s6 =	sor.u32 @p3 $0x9C40, s6;
	_ =	strace @p3 $0x80000049  }
0x6b: {  	[tilespmem:s6], [sflag:s8] =	stream.linear.gather @p3 [hbm4b:s1+s9], $0x100, $0x200038;
	[tilespmem:$0x19E40] =	vst v63  }
0x6c: {  	s26 =	sand.u32 $0x1, s24;
	_ =	strace @p3 $0x90000049  }
0x6d: {  	s1 =	sadd.s32 $0x3, s26;
	_ =	strace $0x8000004A  }
0x6e: {  	_ =	swait.ge [sflag:s1], $0x100  }
0x6f: {  	s28 =	sadd.s32 s0, s25;
	[sflag:s1] =	ssyncset.done $0x0  }
0x70: {  	s5 =	sshll.u32 s24, $0x8;
	s0 =	sand.u32 $0x1, s28;
	[sflag:s1] =	ssyncadd.s32 $0xFFFFFF00  }
0x71: {  	s29 =	sshll.u32 s0, $0xF;
	s5 =	sand.u32 $0x100, s5;
	_ =	strace $0x9000004A  }
0x72: {  	s30 =	sor.u32 $0x9C40, s5;
	s6 =	sadd.s32 $0x9E40, s29;
	_ =	strace $0x8000004B  }
0x73: {  	[tilespmem:s6], [sflag:$0x1] =	stream.indirect.gather [spmem:s2], $0x80, s30, s15, $0x2000b8;
	[tilespmem:$0x19E40] =	vst v63  }
0x74: {  	s5 =	sor.u32 $0x9CC0, s5;
	s1 =	sadd.s32 $0xDE40, s29  }
0x75: {  	[tilespmem:s1], [sflag:$0x2] =	stream.indirect.gather [spmem:s2], $0x80, s5, s15, $0x2000b8;
	[tilespmem:$0x19E40] =	vst v63  }
0x76: {  	_ =	swait.ge [sflag:s14], $0x4000  }
0x77: {  	[sflag:s14] =	ssyncset.done $0x0  }
0x78: {  	[sflag:s14] =	ssyncadd.s32 $0xFFFFC000  }
0x79: {  	_ =	swait.ge [sflag:s16], $0x4000  }
0x7a: {  	[sflag:s16] =	ssyncset.done $0x0  }
0x7b: {  	p5 =	por p4, p4;
	p6 =	seq.s32 s20, $0x1;
	[sflag:s16] =	ssyncadd.s32 $0xFFFFC000  }
0x7c: {  	p0 =	por p6, p5;
	s1 =	sadd.s32 s7, s19;
	_ =	strace $0x9000004B  }
0x7d: {  	s1 =	sshll.u32 @p0 s1, $0xC;
	_ =	strace @p0 $0x8000004C  }
0x7e: {  	s1 =	sand.u32 @p0 $0x1FFFF000, s1;
	s5 =	rddreg [dreg:$0x4]  }
0x7f: {  	s0 =	sadd.s32 @p0 $0x5, s0;
	s8 =	simm.s32 @p0 $0x0;
	s1 =	sadd.s32 @p0 s5, s1  }
0x80: {  	[hbm4b:s1+s8] =	stream.linear.scatter @p0 [tilespmem:s6], [sflag:s0], $0x8000, $0x200038;
	[tilespmem:$0x19E40] =	vst v63  }
0x81: {  	s0 =	sand.u32 @!p1 $0x1, s21;
	p1 =	por p1, p1;
	_ =	strace @p0 $0x9000004C  }
0x82: {  	s0 =	sadd.s32 @!p1 $0x5, s0;
	_ =	strace @!p1 $0x8000004D  }
0x83: {  	_ =	swait.ge @!p1 [sflag:s0], $0x8000  }
0x84: {  	[sflag:s0] =	ssyncset.done @!p1 $0x0  }
0x85: {  	[sflag:s0] =	ssyncadd.s32 @!p1 $0xFFFF8000  }
0x86: {  	_ =	strace @!p1 $0x9000004D  }
0x87: {  	_ =	strace $0x8000004E  }
0x88: {  	_ =	swait.ge [sflag:s17], $0x8000  }
0x89: {  	s18 =	sadd.s32 $0x1, s18;
	s31 =	rddreg [dreg:$0x8]  }
0x8a: {  	p0 =	sne.s32 s18, s31  }
.Ltmp1:
0x8b: {  	_ = 	snop;
	(pc) =	sbr.rel @p0 .LBB2_1-.Ltmp1, $4  }
0x8c: {  	_ = 	snop  }
0x8d: {  	[sflag:s17] =	ssyncset.done $0x0  }
0x8e: {  	[sflag:s17] =	ssyncadd.s32 $0xFFFF8000  }
0x8f: {  	_ =	strace $0x9000004E  }
0x90: {  	_ =	sfence.sel $0x180000  }
0x91: {  	[bflag:$0x0] =	sbarrier.arrive $0xFFFF  }
0x92: {  	_ =	strace $0x90000047  }
0x93: {  	s0 =	stileid.u32;
	[bflag:$0x2] =	sbarrier.arrive $0xFFFF  }
0x94: {  	p0 =	sne.s32 s0, $0x0;
	s0 =	rddreg [dreg:$0x3]  }
0x95: {  	s0 =	sadd.s32 @!p0 $0x100000, s0  }
0x96: {  	[sflag:s0] =	ssyncadd.tile.s32 @!p0 $0x1;
	_ =	shalt  }
.Lfunc_end2:
_tile_overlayer_lowered:
.L_overlay_start_2:
0x97: {  	(tag) =	ssettag $0x2  }
0x98: {  	s0 =	rddreg [dreg:$0x0];
	s2 =	stileid.u32  }
0x99: {  	s1 =	rddreg [dreg:$0x1];
	p0 =	sne.s32 s2, $0x0  }
0x9a: {  	s3 =	rddreg [dreg:$0x2];
	[bflag:$0x3] =	sbarrier.arrive $0xFFFF;
	s2 =	simm.s32 @!p0 $0x1C03  }
0x9b: {  	[timem:s3], [sflag:s2] =	dma.local @!p0 [hbm:s0], s1  }
0x9c: {  	s0 =	simm.s32 @!p0 $0x3  }
0x9d: {  	_ =	swait.ge @!p0 [sflag:s0], s1  }
0x9e: {  	s1 =	ssub.s32 @!p0 $0x0, s1;
	[sflag:s0] =	ssyncset.done @!p0 $0x0  }
0x9f: {  	[sflag:s0] =	ssyncadd.s32 @!p0 s1  }
0xa0: {  	[bflag:$0x3] =	sbarrier.arrive $0xFFFF  }
0xa1: {  	_ =	shalt  }

</sc_bundles>
